<compile_context>
chip_gen: v7x
topology: tpu7x:2x2x1
jax: 0.10.2.dev20260603
libtpu: 0.0.44.dev20260713+nightly
codegen_flags: <defaults>
</compile_context>

<pallas_src>
import functools

import jax
import jax.numpy as jnp
from jax import lax
from jax.experimental import pallas as pl
from jax.experimental.pallas import tpu as pltpu
from jax.experimental.pallas import tpu_sc as plsc

TOPK_N = 500
F = 100
D = 64
B = 4096
NW = 32
NSPLIT = 1
BH = B // NSPLIT
CHUNK = 128
GC = 5
GS = GC * CHUNK
BT = 128


def _sc_gather(idx2d, emb_table, bias_table, nb):
    rows_total = F * nb
    rows_per_w = rows_total // NW
    steps = rows_per_w // CHUNK
    ng = rows_per_w // GS
    assert ng % 2 == 0
    mesh = plsc.VectorSubcoreMesh(core_axis_name="c", subcore_axis_name="s")

    @functools.partial(
        pl.kernel,
        mesh=mesh,
        compiler_params=pltpu.CompilerParams(use_tc_tiling_on_sc=False),
        out_type=[
            jax.ShapeDtypeStruct((rows_total, D), jnp.float32),
            jax.ShapeDtypeStruct((rows_total,), jnp.float32),
        ],
        name="sc_gather",
        scratch_types=[
            pltpu.VMEM((steps, CHUNK), jnp.int32),
            pltpu.VMEM((GS, D), jnp.float32),
            pltpu.VMEM((GS, D), jnp.float32),
            pltpu.VMEM((GS,), jnp.float32),
            pltpu.VMEM((GS,), jnp.float32),
            pltpu.SemaphoreType.DMA,
            pltpu.SemaphoreType.DMA,
            pltpu.SemaphoreType.DMA,
            pltpu.SemaphoreType.DMA,
        ],
    )
    def gather_kernel(idx_hbm, emb_lin_hbm, bias_hbm, out_emb, out_bias,
                      idx_v, rows_v0, rows_v1, brows_v0, brows_v1,
                      gsem0, gsem1, wsem0, wsem1):
        emb_hbm = emb_lin_hbm
        wid = lax.axis_index("s") * 2 + lax.axis_index("c")
        rows = (rows_v0, rows_v1)
        brows = (brows_v0, brows_v1)
        gsems = (gsem0, gsem1)
        wsems = (wsem0, wsem1)
        pltpu.sync_copy(idx_hbm.at[wid], idx_v)

        def emb_pair(g, p, b):
            return (emb_hbm.at[idx_v.at[g * GC + b]],
                    rows[p].at[pl.ds(b * CHUNK, CHUNK)])

        def bias_pair(g, p, b):
            return (bias_hbm.at[idx_v.at[g * GC + b]],
                    brows[p].at[pl.ds(b * CHUNK, CHUNK)])

        def wb_pairs(g, p):
            gbase = wid * rows_per_w + g * GS
            return ((rows[p], out_emb.at[pl.ds(gbase, GS)]),
                    (brows[p], out_bias.at[pl.ds(gbase, GS)]))

        def issue_gathers(g, p):
            for b in range(GC):
                pltpu.async_copy(*emb_pair(g, p, b), gsems[p])
                pltpu.async_copy(*bias_pair(g, p, b), gsems[p])

        def finish_group(g, p):
            gbase = wid * rows_per_w + g * GS
            for b in range(GC):
                pltpu.make_async_copy(*emb_pair(g, p, b), gsems[p]).wait()
                pltpu.async_copy(
                    rows[p].at[pl.ds(b * CHUNK, CHUNK)],
                    out_emb.at[pl.ds(gbase + b * CHUNK, CHUNK)], wsems[p])
                pltpu.make_async_copy(*bias_pair(g, p, b), gsems[p]).wait()
                pltpu.async_copy(
                    brows[p].at[pl.ds(b * CHUNK, CHUNK)],
                    out_bias.at[pl.ds(gbase + b * CHUNK, CHUNK)], wsems[p])

        def drain_writeback(g, p):
            for pair in wb_pairs(g, p):
                pltpu.make_async_copy(*pair, wsems[p]).wait()

        def body(i, carry):
            for p in (0, 1):
                g = i * 2 + p

                @pl.when(g >= 2)
                def _():
                    drain_writeback(g - 2, p)

                issue_gathers(g, p)

                @pl.when(g >= 1)
                def _():
                    finish_group(g - 1, 1 - p)

            return carry

        lax.fori_loop(0, ng // 2, body, 0)
        finish_group(ng - 1, 1)
        drain_writeback(ng - 2, 0)
        drain_writeback(ng - 1, 1)

    return gather_kernel(idx2d, emb_table, bias_table)


def _mask_body(fiw_ref, m_ref):
    fiw = fiw_ref[...]
    i = lax.broadcasted_iota(jnp.int32, (F, F), 0)
    j = lax.broadcasted_iota(jnp.int32, (F, F), 1)
    orig = jnp.where(j > i, fiw, 0.0)
    bits = lax.bitcast_convert_type(jnp.abs(orig), jnp.int32)

    def bs_body(_, carry):
        lo, hi = carry
        mid = lo + (hi - lo) // 2
        c = jnp.sum((bits >= mid).astype(jnp.int32))
        big = c >= TOPK_N
        return jnp.where(big, mid, lo), jnp.where(big, hi, mid)

    lo, _ = lax.fori_loop(
        0, 31, bs_body, (jnp.int32(0), jnp.int32(0x7F800000)))
    thr = lo
    gt = bits > thr
    eq = bits == thr
    need = TOPK_N - jnp.sum(gt.astype(jnp.float32))
    eqf = eq.astype(jnp.float32)
    row_cnt = jnp.sum(eqf, axis=1, keepdims=True)
    rows_before = (j < i).astype(jnp.float32)
    rp = jnp.dot(rows_before, row_cnt,
                 preferred_element_type=jnp.float32)
    incl = (i <= j).astype(jnp.float32)
    cs = jnp.dot(eqf, incl, preferred_element_type=jnp.float32)
    rank = rp + cs
    sel = jnp.logical_and(eq, rank <= need)
    m_ref[...] = jnp.where(jnp.logical_or(gt, sel), orig, 0.0)


def _fm_kernel(emb_ref, bias_ref, m_ref, w0_ref, out_ref, sel_ref):
    @pl.when(pl.program_id(0) == 0)
    def _():
        r = lax.broadcasted_iota(jnp.int32, (BT * D, BT), 0)
        c = lax.broadcasted_iota(jnp.int32, (BT * D, BT), 1)
        sel_ref[...] = (lax.shift_right_logical(r, 6) == c).astype(jnp.float32)

    e = emb_ref[...].reshape(F, BT * D)
    p = jnp.dot(m_ref[...], e, preferred_element_type=jnp.float32)

    ones = jnp.full((1, F), 1.0, dtype=jnp.float32)
    colsum = jnp.dot(ones, e * p,
                     preferred_element_type=jnp.float32)
    fi = jnp.dot(colsum, sel_ref[...],
                 preferred_element_type=jnp.float32)
    lin = jnp.sum(bias_ref[...][:, 0, 0, :], axis=0, keepdims=True)
    out_ref[...] = fi + lin + w0_ref[0, 0]


def _masked_weights(fiw_raw):
    return pl.pallas_call(
        _mask_body,
        out_shape=jax.ShapeDtypeStruct((F, F), jnp.float32),
    )(fiw_raw)


def _fm_interactions(emb2d, bias2d, m, w0_2d, nb):
    return pl.pallas_call(
        _fm_kernel,
        grid=(nb // BT,),
        in_specs=[
            pl.BlockSpec((F, BT // 2, 128), lambda g: (0, g, 0)),
            pl.BlockSpec((F, BT // 128, 1, 128), lambda g: (0, g, 0, 0)),
            pl.BlockSpec((F, F), lambda g: (0, 0)),
            pl.BlockSpec((1, 1), lambda g: (0, 0)),
        ],
        out_specs=pl.BlockSpec((1, BT), lambda g: (0, g)),
        out_shape=jax.ShapeDtypeStruct((1, nb), jnp.float32),
        scratch_shapes=[pltpu.VMEM((BT * D, BT), jnp.float32)],
    )(emb2d, bias2d, m, w0_2d)


def kernel(x, emb_table, bias_table, w0, fiw_raw):
    xt = x.astype(jnp.int32).T
    bias1d = bias_table.reshape(-1)
    w0_2d = w0.reshape(1, 1)
    m = _masked_weights(fiw_raw)
    outs = []
    for h in range(NSPLIT):
        idx3d = xt[:, h * BH:(h + 1) * BH].reshape(NW, -1, CHUNK)
        emb_flat, bias_flat = _sc_gather(idx3d, emb_table, bias1d, BH)
        emb2d = emb_flat.reshape(F, BH // 2, 128)
        bias2d = bias_flat.reshape(F, BH // 128, 1, 128)
        outs.append(_fm_interactions(emb2d, bias2d, m, w0_2d, BH))
    out = outs[0] if NSPLIT == 1 else jnp.concatenate(outs, axis=1)
    return out.reshape(B)

# --- scband reference (transcript-rebuilt; emitter-appended) ---
"""Pipeline reference for scband-pruned-field-weighted-factorization-machine-model-4767413698710 (READ-ONLY COPY).

The authoritative reference and input builder live on the scoring server;
editing this copy changes nothing except your own understanding.
"""

import jax, jax.numpy as jnp
import numpy as np

TOPK = 500


def setup_inputs(seed: int = 0) -> dict:
    key = jax.random.key(seed)
    k1, k2, k3, k4 = jax.random.split(key, 4)
    x = jax.random.randint(k1, (4096, 100), 0, 100000)
    emb_table = jax.random.normal(k2, (100000, 64), dtype=jnp.float32) * 0.01
    bias_table = jax.random.normal(k3, (100000, 1), dtype=jnp.float32) * 0.01
    w0 = jnp.zeros((1,), dtype=jnp.float32)
    fiw_raw = jax.random.normal(k4, (100, 100), dtype=jnp.float32) * 0.01
    return {"x": x, "emb_table": emb_table, "bias_table": bias_table, "w0": w0, "fiw_raw": fiw_raw}


def reference(x, emb_table, bias_table, w0, fiw_raw):
    # Symmetric parametrization of field interaction weights
    F = fiw_raw.shape[0]
    t = jnp.triu(fiw_raw, 1)
    W = t + t.T
    # set_top_entries_from_field_inter_weights (eval-mode pruning)
    original = jnp.triu(W, 1)
    flat = jnp.abs(original).reshape(-1)
    _, idx_flat = jax.lax.top_k(flat, TOPK)
    rows = idx_flat // F
    cols = idx_flat % F
    vals = original[rows, cols]
    # embedding lookups
    emb = emb_table[x]            # [B, F, D]
    biases_x = bias_table[x]      # [B, F, 1]
    # linear term
    lin = w0 + jnp.sum(jnp.squeeze(biases_x, -1), axis=-1)  # [B]
    # pruned factorization interactions (calc_factorization_interactions, _use_topk=True)
    emb_i = jnp.take(emb, rows, axis=-2)  # [B, TOPK, D]
    emb_j = jnp.take(emb, cols, axis=-2)  # [B, TOPK, D]
    fi = jnp.sum(jnp.sum(emb_i * emb_j, axis=-1) * vals, axis=-1)  # [B]
    return lin + fi

if __name__ == "__main__":
    import jax
    _d = setup_inputs()
    print(jax.jit(kernel)(*tuple(_d.values())))

</pallas_src>

<mosaic_0001>
#map = affine_map<(d0, d1) -> (0, 0, 0)>
#map1 = affine_map<(d0, d1) -> (0, 0)>
#map2 = affine_map<(d0, d1) -> (0)>
module attributes {stable_mosaic.version = 14 : i64} {
  func.func @sc_gather(%arg0: i32, %arg1: i32, %arg2: memref<32x100x128xi32, #tpu.memory_space<hbm>>, %arg3: memref<100000x64xf32, #tpu.memory_space<hbm>>, %arg4: memref<100000xf32, #tpu.memory_space<hbm>>, %arg5: memref<409600x64xf32, #tpu.memory_space<hbm>>, %arg6: memref<409600xf32, #tpu.memory_space<hbm>>, %arg7: memref<100x128xi32, #tpu.memory_space<vmem>>, %arg8: memref<640x64xf32, #tpu.memory_space<vmem>>, %arg9: memref<640x64xf32, #tpu.memory_space<vmem>>, %arg10: memref<640xf32, #tpu.memory_space<vmem>>, %arg11: memref<640xf32, #tpu.memory_space<vmem>>, %arg12: memref<!tpu.dma_semaphore, #tpu.memory_space<semaphore_mem>>, %arg13: memref<!tpu.dma_semaphore, #tpu.memory_space<semaphore_mem>>, %arg14: memref<!tpu.dma_semaphore, #tpu.memory_space<semaphore_mem>>, %arg15: memref<!tpu.dma_semaphore, #tpu.memory_space<semaphore_mem>>) attributes {dimension_semantics = [#tpu.dimension_semantics<core_parallel>, #tpu.dimension_semantics<subcore_parallel>], iteration_bounds = array<i64: 2, 16>, scalar_prefetch = 0 : i64, scratch_operands = 9 : i64, tpu.core_type = #tpu.core_type<sc_vector_subcore>, window_params = [{transform_indices = #map}, {transform_indices = #map1}, {transform_indices = #map2}, {transform_indices = #map1}, {transform_indices = #map2}]} {
    %mul3A = arith.constant 2 : i32
    %mul3A_0 = arith.muli %arg1, %mul3A : i32
    %add3A = arith.addi %mul3A_0, %arg0 : i32
    "tpu.region"() ({
      %run_scoped3A = tpu.sem_alloc : memref<!tpu.dma_semaphore, #tpu.memory_space<semaphore_mem>>
      %dma_start3A_218 = arith.constant 0 : i32
      %dma_start3A_219 = arith.constant 0 : i32
      %dma_start3A_220 = tpu.memref_slice %arg2[%add3A, %dma_start3A_218, %dma_start3A_219] : memref<32x100x128xi32, #tpu.memory_space<hbm>> -> memref<1x100x128xi32, #tpu.memory_space<hbm>>
      %dma_start3A_221 = tpu.memref_squeeze %dma_start3A_220 : memref<1x100x128xi32, #tpu.memory_space<hbm>> -> memref<100x128xi32, #tpu.memory_space<hbm>>
      %dma_start3A_222 = arith.constant 0 : i32
      %dma_start3A_223 = arith.constant 0 : i32
      %dma_start3A_224 = tpu.memref_slice %arg2[%add3A, %dma_start3A_222, %dma_start3A_223] : memref<32x100x128xi32, #tpu.memory_space<hbm>> -> memref<1x100x128xi32, #tpu.memory_space<hbm>>
      %dma_start3A_225 = tpu.memref_squeeze %dma_start3A_224 : memref<1x100x128xi32, #tpu.memory_space<hbm>> -> memref<100x128xi32, #tpu.memory_space<hbm>>
      tpu.enqueue_dma source(%dma_start3A_225 : memref<100x128xi32, #tpu.memory_space<hbm>>) target(%arg7 : memref<100x128xi32, #tpu.memory_space<vmem>>) target_semaphore(%run_scoped3A : memref<!tpu.dma_semaphore, #tpu.memory_space<semaphore_mem>>)
      %dma_wait3A_226 = arith.constant 0 : i32
      %dma_wait3A_227 = arith.constant 0 : i32
      %dma_wait3A_228 = tpu.memref_slice %arg2[%add3A, %dma_wait3A_226, %dma_wait3A_227] : memref<32x100x128xi32, #tpu.memory_space<hbm>> -> memref<1x100x128xi32, #tpu.memory_space<hbm>>
      %dma_wait3A_229 = tpu.memref_squeeze %dma_wait3A_228 : memref<1x100x128xi32, #tpu.memory_space<hbm>> -> memref<100x128xi32, #tpu.memory_space<hbm>>
      %dma_wait3A_230 = arith.constant 0 : i32
      %dma_wait3A_231 = arith.constant 0 : i32
      %dma_wait3A_232 = tpu.memref_slice %arg2[%add3A, %dma_wait3A_230, %dma_wait3A_231] : memref<32x100x128xi32, #tpu.memory_space<hbm>> -> memref<1x100x128xi32, #tpu.memory_space<hbm>>
      %dma_wait3A_233 = tpu.memref_squeeze %dma_wait3A_232 : memref<1x100x128xi32, #tpu.memory_space<hbm>> -> memref<100x128xi32, #tpu.memory_space<hbm>>
      tpu.wait_dma2 semaphore(%run_scoped3A : memref<!tpu.dma_semaphore, #tpu.memory_space<semaphore_mem>>) src(%dma_wait3A_233 : memref<100x128xi32, #tpu.memory_space<hbm>>) dst(%arg7 : memref<100x128xi32, #tpu.memory_space<vmem>>)
      tpu.yield
    }) : () -> ()
    %scan3A = arith.constant 0 : i32
    %scan3A_1 = arith.constant 0 : i32
    %scan3A_2 = arith.constant 10 : i32
    %scan3A_3 = arith.addi %scan3A_1, %scan3A_2 : i32
    %scan3A_4 = arith.constant 1 : i32
    scf.for %scan3A_218 = %scan3A_1 to %scan3A_3 step %scan3A_4  : i32 {
      %mul3A_219 = arith.constant 2 : i32
      %mul3A_220 = arith.muli %scan3A_218, %mul3A_219 : i32
      %add3A_221 = arith.constant 0 : i32
      %add3A_222 = arith.addi %mul3A_220, %add3A_221 : i32
      %ge3A = arith.constant 2 : i32
      %ge3A_223 = arith.cmpi sge, %add3A_222, %ge3A : i32
      %convert_element_type3A = arith.extui %ge3A_223 : i1 to i32
      %cond3A = arith.constant 0 : i32
      %cond3A_224 = arith.cmpi ne, %convert_element_type3A, %cond3A : i32
      scf.if %cond3A_224 {
        %sub3A = arith.constant 2 : i32
        %sub3A_484 = arith.subi %add3A_222, %sub3A : i32
        %mul3A_485 = arith.constant 12800 : i32
        %mul3A_486 = arith.muli %add3A, %mul3A_485 : i32
        %mul3A_487 = arith.constant 640 : i32
        %mul3A_488 = arith.muli %sub3A_484, %mul3A_487 : i32
        %add3A_489 = arith.addi %mul3A_486, %mul3A_488 : i32
        %dma_wait3A_490 = arith.constant 0 : i32
        %dma_wait3A_491 = tpu.memref_slice %arg5[%add3A_489, %dma_wait3A_490] : memref<409600x64xf32, #tpu.memory_space<hbm>> -> memref<640x64xf32, #tpu.memory_space<hbm>>
        %dma_wait3A_492 = arith.constant 0 : i32
        %dma_wait3A_493 = tpu.memref_slice %arg5[%add3A_489, %dma_wait3A_492] : memref<409600x64xf32, #tpu.memory_space<hbm>> -> memref<640x64xf32, #tpu.memory_space<hbm>>
        tpu.wait_dma2 semaphore(%arg14 : memref<!tpu.dma_semaphore, #tpu.memory_space<semaphore_mem>>) src(%arg8 : memref<640x64xf32, #tpu.memory_space<vmem>>) dst(%dma_wait3A_493 : memref<640x64xf32, #tpu.memory_space<hbm>>)
        %dma_wait3A_494 = tpu.memref_slice %arg6[%add3A_489] : memref<409600xf32, #tpu.memory_space<hbm>> -> memref<640xf32, #tpu.memory_space<hbm>>
        %dma_wait3A_495 = tpu.memref_slice %arg6[%add3A_489] : memref<409600xf32, #tpu.memory_space<hbm>> -> memref<640xf32, #tpu.memory_space<hbm>>
        tpu.wait_dma2 semaphore(%arg14 : memref<!tpu.dma_semaphore, #tpu.memory_space<semaphore_mem>>) src(%arg10 : memref<640xf32, #tpu.memory_space<vmem>>) dst(%dma_wait3A_495 : memref<640xf32, #tpu.memory_space<hbm>>)
      } else {
      }
      %mul3A_225 = arith.constant 5 : i32
      %mul3A_226 = arith.muli %add3A_222, %mul3A_225 : i32
      %add3A_227 = arith.constant 0 : i32
      %add3A_228 = arith.addi %mul3A_226, %add3A_227 : i32
      %dma_start3A_229 = arith.constant 0 : i32
      %dma_start3A_230 = arith.constant 0 : i32
      %dma_start3A_231 = tpu.memref_slice %arg8[%dma_start3A_229, %dma_start3A_230] : memref<640x64xf32, #tpu.memory_space<vmem>> -> memref<128x64xf32, #tpu.memory_space<vmem>>
      %dma_start3A_232 = arith.constant 0 : i32
      %dma_start3A_233 = tpu.memref_slice %arg7[%add3A_228, %dma_start3A_232] : memref<100x128xi32, #tpu.memory_space<vmem>> -> memref<1x128xi32, #tpu.memory_space<vmem>>
      %dma_start3A_234 = tpu.memref_squeeze %dma_start3A_233 : memref<1x128xi32, #tpu.memory_space<vmem>> -> memref<128xi32, #tpu.memory_space<vmem>>
      %dma_start3A_235 = arith.constant 0 : i32
      %dma_start3A_236 = arith.constant 0 : i32
      %dma_start3A_237 = tpu.memref_slice %arg3[%dma_start3A_235, %dma_start3A_236] : memref<100000x64xf32, #tpu.memory_space<hbm>> -> memref<100000x64xf32, #tpu.memory_space<hbm>>
      tpu.enqueue_indirect_dma source(%dma_start3A_237 : memref<100000x64xf32, #tpu.memory_space<hbm>>) target(%dma_start3A_231 : memref<128x64xf32, #tpu.memory_space<vmem>>) offsets(%dma_start3A_234 : memref<128xi32, #tpu.memory_space<vmem>>) semaphore(%arg12 : memref<!tpu.dma_semaphore, #tpu.memory_space<semaphore_mem>>)
      %mul3A_238 = arith.constant 5 : i32
      %mul3A_239 = arith.muli %add3A_222, %mul3A_238 : i32
      %add3A_240 = arith.constant 0 : i32
      %add3A_241 = arith.addi %mul3A_239, %add3A_240 : i32
      %dma_start3A_242 = arith.constant 0 : i32
      %dma_start3A_243 = tpu.memref_slice %arg10[%dma_start3A_242] : memref<640xf32, #tpu.memory_space<vmem>> -> memref<128xf32, #tpu.memory_space<vmem>>
      %dma_start3A_244 = arith.constant 0 : i32
      %dma_start3A_245 = tpu.memref_slice %arg7[%add3A_241, %dma_start3A_244] : memref<100x128xi32, #tpu.memory_space<vmem>> -> memref<1x128xi32, #tpu.memory_space<vmem>>
      %dma_start3A_246 = tpu.memref_squeeze %dma_start3A_245 : memref<1x128xi32, #tpu.memory_space<vmem>> -> memref<128xi32, #tpu.memory_space<vmem>>
      %dma_start3A_247 = arith.constant 0 : i32
      %dma_start3A_248 = tpu.memref_slice %arg4[%dma_start3A_247] : memref<100000xf32, #tpu.memory_space<hbm>> -> memref<100000xf32, #tpu.memory_space<hbm>>
      tpu.enqueue_indirect_dma source(%dma_start3A_248 : memref<100000xf32, #tpu.memory_space<hbm>>) target(%dma_start3A_243 : memref<128xf32, #tpu.memory_space<vmem>>) offsets(%dma_start3A_246 : memref<128xi32, #tpu.memory_space<vmem>>) semaphore(%arg12 : memref<!tpu.dma_semaphore, #tpu.memory_space<semaphore_mem>>)
      %mul3A_249 = arith.constant 5 : i32
      %mul3A_250 = arith.muli %add3A_222, %mul3A_249 : i32
      %add3A_251 = arith.constant 1 : i32
      %add3A_252 = arith.addi %mul3A_250, %add3A_251 : i32
      %dma_start3A_253 = arith.constant 128 : i32
      %dma_start3A_254 = arith.constant 0 : i32
      %dma_start3A_255 = tpu.memref_slice %arg8[%dma_start3A_253, %dma_start3A_254] : memref<640x64xf32, #tpu.memory_space<vmem>> -> memref<128x64xf32, #tpu.memory_space<vmem>>
      %dma_start3A_256 = arith.constant 0 : i32
      %dma_start3A_257 = tpu.memref_slice %arg7[%add3A_252, %dma_start3A_256] : memref<100x128xi32, #tpu.memory_space<vmem>> -> memref<1x128xi32, #tpu.memory_space<vmem>>
      %dma_start3A_258 = tpu.memref_squeeze %dma_start3A_257 : memref<1x128xi32, #tpu.memory_space<vmem>> -> memref<128xi32, #tpu.memory_space<vmem>>
      %dma_start3A_259 = arith.constant 0 : i32
      %dma_start3A_260 = arith.constant 0 : i32
      %dma_start3A_261 = tpu.memref_slice %arg3[%dma_start3A_259, %dma_start3A_260] : memref<100000x64xf32, #tpu.memory_space<hbm>> -> memref<100000x64xf32, #tpu.memory_space<hbm>>
      tpu.enqueue_indirect_dma source(%dma_start3A_261 : memref<100000x64xf32, #tpu.memory_space<hbm>>) target(%dma_start3A_255 : memref<128x64xf32, #tpu.memory_space<vmem>>) offsets(%dma_start3A_258 : memref<128xi32, #tpu.memory_space<vmem>>) semaphore(%arg12 : memref<!tpu.dma_semaphore, #tpu.memory_space<semaphore_mem>>)
      %mul3A_262 = arith.constant 5 : i32
      %mul3A_263 = arith.muli %add3A_222, %mul3A_262 : i32
      %add3A_264 = arith.constant 1 : i32
      %add3A_265 = arith.addi %mul3A_263, %add3A_264 : i32
      %dma_start3A_266 = arith.constant 128 : i32
      %dma_start3A_267 = tpu.memref_slice %arg10[%dma_start3A_266] : memref<640xf32, #tpu.memory_space<vmem>> -> memref<128xf32, #tpu.memory_space<vmem>>
      %dma_start3A_268 = arith.constant 0 : i32
      %dma_start3A_269 = tpu.memref_slice %arg7[%add3A_265, %dma_start3A_268] : memref<100x128xi32, #tpu.memory_space<vmem>> -> memref<1x128xi32, #tpu.memory_space<vmem>>
      %dma_start3A_270 = tpu.memref_squeeze %dma_start3A_269 : memref<1x128xi32, #tpu.memory_space<vmem>> -> memref<128xi32, #tpu.memory_space<vmem>>
      %dma_start3A_271 = arith.constant 0 : i32
      %dma_start3A_272 = tpu.memref_slice %arg4[%dma_start3A_271] : memref<100000xf32, #tpu.memory_space<hbm>> -> memref<100000xf32, #tpu.memory_space<hbm>>
      tpu.enqueue_indirect_dma source(%dma_start3A_272 : memref<100000xf32, #tpu.memory_space<hbm>>) target(%dma_start3A_267 : memref<128xf32, #tpu.memory_space<vmem>>) offsets(%dma_start3A_270 : memref<128xi32, #tpu.memory_space<vmem>>) semaphore(%arg12 : memref<!tpu.dma_semaphore, #tpu.memory_space<semaphore_mem>>)
      %mul3A_273 = arith.constant 5 : i32
      %mul3A_274 = arith.muli %add3A_222, %mul3A_273 : i32
      %add3A_275 = arith.constant 2 : i32
      %add3A_276 = arith.addi %mul3A_274, %add3A_275 : i32
      %dma_start3A_277 = arith.constant 256 : i32
      %dma_start3A_278 = arith.constant 0 : i32
      %dma_start3A_279 = tpu.memref_slice %arg8[%dma_start3A_277, %dma_start3A_278] : memref<640x64xf32, #tpu.memory_space<vmem>> -> memref<128x64xf32, #tpu.memory_space<vmem>>
      %dma_start3A_280 = arith.constant 0 : i32
      %dma_start3A_281 = tpu.memref_slice %arg7[%add3A_276, %dma_start3A_280] : memref<100x128xi32, #tpu.memory_space<vmem>> -> memref<1x128xi32, #tpu.memory_space<vmem>>
      %dma_start3A_282 = tpu.memref_squeeze %dma_start3A_281 : memref<1x128xi32, #tpu.memory_space<vmem>> -> memref<128xi32, #tpu.memory_space<vmem>>
      %dma_start3A_283 = arith.constant 0 : i32
      %dma_start3A_284 = arith.constant 0 : i32
      %dma_start3A_285 = tpu.memref_slice %arg3[%dma_start3A_283, %dma_start3A_284] : memref<100000x64xf32, #tpu.memory_space<hbm>> -> memref<100000x64xf32, #tpu.memory_space<hbm>>
      tpu.enqueue_indirect_dma source(%dma_start3A_285 : memref<100000x64xf32, #tpu.memory_space<hbm>>) target(%dma_start3A_279 : memref<128x64xf32, #tpu.memory_space<vmem>>) offsets(%dma_start3A_282 : memref<128xi32, #tpu.memory_space<vmem>>) semaphore(%arg12 : memref<!tpu.dma_semaphore, #tpu.memory_space<semaphore_mem>>)
      %mul3A_286 = arith.constant 5 : i32
      %mul3A_287 = arith.muli %add3A_222, %mul3A_286 : i32
      %add3A_288 = arith.constant 2 : i32
      %add3A_289 = arith.addi %mul3A_287, %add3A_288 : i32
      %dma_start3A_290 = arith.constant 256 : i32
      %dma_start3A_291 = tpu.memref_slice %arg10[%dma_start3A_290] : memref<640xf32, #tpu.memory_space<vmem>> -> memref<128xf32, #tpu.memory_space<vmem>>
      %dma_start3A_292 = arith.constant 0 : i32
      %dma_start3A_293 = tpu.memref_slice %arg7[%add3A_289, %dma_start3A_292] : memref<100x128xi32, #tpu.memory_space<vmem>> -> memref<1x128xi32, #tpu.memory_space<vmem>>
      %dma_start3A_294 = tpu.memref_squeeze %dma_start3A_293 : memref<1x128xi32, #tpu.memory_space<vmem>> -> memref<128xi32, #tpu.memory_space<vmem>>
      %dma_start3A_295 = arith.constant 0 : i32
      %dma_start3A_296 = tpu.memref_slice %arg4[%dma_start3A_295] : memref<100000xf32, #tpu.memory_space<hbm>> -> memref<100000xf32, #tpu.memory_space<hbm>>
      tpu.enqueue_indirect_dma source(%dma_start3A_296 : memref<100000xf32, #tpu.memory_space<hbm>>) target(%dma_start3A_291 : memref<128xf32, #tpu.memory_space<vmem>>) offsets(%dma_start3A_294 : memref<128xi32, #tpu.memory_space<vmem>>) semaphore(%arg12 : memref<!tpu.dma_semaphore, #tpu.memory_space<semaphore_mem>>)
      %mul3A_297 = arith.constant 5 : i32
      %mul3A_298 = arith.muli %add3A_222, %mul3A_297 : i32
      %add3A_299 = arith.constant 3 : i32
      %add3A_300 = arith.addi %mul3A_298, %add3A_299 : i32
      %dma_start3A_301 = arith.constant 384 : i32
      %dma_start3A_302 = arith.constant 0 : i32
      %dma_start3A_303 = tpu.memref_slice %arg8[%dma_start3A_301, %dma_start3A_302] : memref<640x64xf32, #tpu.memory_space<vmem>> -> memref<128x64xf32, #tpu.memory_space<vmem>>
      %dma_start3A_304 = arith.constant 0 : i32
      %dma_start3A_305 = tpu.memref_slice %arg7[%add3A_300, %dma_start3A_304] : memref<100x128xi32, #tpu.memory_space<vmem>> -> memref<1x128xi32, #tpu.memory_space<vmem>>
      %dma_start3A_306 = tpu.memref_squeeze %dma_start3A_305 : memref<1x128xi32, #tpu.memory_space<vmem>> -> memref<128xi32, #tpu.memory_space<vmem>>
      %dma_start3A_307 = arith.constant 0 : i32
      %dma_start3A_308 = arith.constant 0 : i32
      %dma_start3A_309 = tpu.memref_slice %arg3[%dma_start3A_307, %dma_start3A_308] : memref<100000x64xf32, #tpu.memory_space<hbm>> -> memref<100000x64xf32, #tpu.memory_space<hbm>>
      tpu.enqueue_indirect_dma source(%dma_start3A_309 : memref<100000x64xf32, #tpu.memory_space<hbm>>) target(%dma_start3A_303 : memref<128x64xf32, #tpu.memory_space<vmem>>) offsets(%dma_start3A_306 : memref<128xi32, #tpu.memory_space<vmem>>) semaphore(%arg12 : memref<!tpu.dma_semaphore, #tpu.memory_space<semaphore_mem>>)
      %mul3A_310 = arith.constant 5 : i32
      %mul3A_311 = arith.muli %add3A_222, %mul3A_310 : i32
      %add3A_312 = arith.constant 3 : i32
      %add3A_313 = arith.addi %mul3A_311, %add3A_312 : i32
      %dma_start3A_314 = arith.constant 384 : i32
      %dma_start3A_315 = tpu.memref_slice %arg10[%dma_start3A_314] : memref<640xf32, #tpu.memory_space<vmem>> -> memref<128xf32, #tpu.memory_space<vmem>>
      %dma_start3A_316 = arith.constant 0 : i32
      %dma_start3A_317 = tpu.memref_slice %arg7[%add3A_313, %dma_start3A_316] : memref<100x128xi32, #tpu.memory_space<vmem>> -> memref<1x128xi32, #tpu.memory_space<vmem>>
      %dma_start3A_318 = tpu.memref_squeeze %dma_start3A_317 : memref<1x128xi32, #tpu.memory_space<vmem>> -> memref<128xi32, #tpu.memory_space<vmem>>
      %dma_start3A_319 = arith.constant 0 : i32
      %dma_start3A_320 = tpu.memref_slice %arg4[%dma_start3A_319] : memref<100000xf32, #tpu.memory_space<hbm>> -> memref<100000xf32, #tpu.memory_space<hbm>>
      tpu.enqueue_indirect_dma source(%dma_start3A_320 : memref<100000xf32, #tpu.memory_space<hbm>>) target(%dma_start3A_315 : memref<128xf32, #tpu.memory_space<vmem>>) offsets(%dma_start3A_318 : memref<128xi32, #tpu.memory_space<vmem>>) semaphore(%arg12 : memref<!tpu.dma_semaphore, #tpu.memory_space<semaphore_mem>>)
      %mul3A_321 = arith.constant 5 : i32
      %mul3A_322 = arith.muli %add3A_222, %mul3A_321 : i32
      %add3A_323 = arith.constant 4 : i32
      %add3A_324 = arith.addi %mul3A_322, %add3A_323 : i32
      %dma_start3A_325 = arith.constant 512 : i32
      %dma_start3A_326 = arith.constant 0 : i32
      %dma_start3A_327 = tpu.memref_slice %arg8[%dma_start3A_325, %dma_start3A_326] : memref<640x64xf32, #tpu.memory_space<vmem>> -> memref<128x64xf32, #tpu.memory_space<vmem>>
      %dma_start3A_328 = arith.constant 0 : i32
      %dma_start3A_329 = tpu.memref_slice %arg7[%add3A_324, %dma_start3A_328] : memref<100x128xi32, #tpu.memory_space<vmem>> -> memref<1x128xi32, #tpu.memory_space<vmem>>
      %dma_start3A_330 = tpu.memref_squeeze %dma_start3A_329 : memref<1x128xi32, #tpu.memory_space<vmem>> -> memref<128xi32, #tpu.memory_space<vmem>>
      %dma_start3A_331 = arith.constant 0 : i32
      %dma_start3A_332 = arith.constant 0 : i32
      %dma_start3A_333 = tpu.memref_slice %arg3[%dma_start3A_331, %dma_start3A_332] : memref<100000x64xf32, #tpu.memory_space<hbm>> -> memref<100000x64xf32, #tpu.memory_space<hbm>>
      tpu.enqueue_indirect_dma source(%dma_start3A_333 : memref<100000x64xf32, #tpu.memory_space<hbm>>) target(%dma_start3A_327 : memref<128x64xf32, #tpu.memory_space<vmem>>) offsets(%dma_start3A_330 : memref<128xi32, #tpu.memory_space<vmem>>) semaphore(%arg12 : memref<!tpu.dma_semaphore, #tpu.memory_space<semaphore_mem>>)
      %mul3A_334 = arith.constant 5 : i32
      %mul3A_335 = arith.muli %add3A_222, %mul3A_334 : i32
      %add3A_336 = arith.constant 4 : i32
      %add3A_337 = arith.addi %mul3A_335, %add3A_336 : i32
      %dma_start3A_338 = arith.constant 512 : i32
      %dma_start3A_339 = tpu.memref_slice %arg10[%dma_start3A_338] : memref<640xf32, #tpu.memory_space<vmem>> -> memref<128xf32, #tpu.memory_space<vmem>>
      %dma_start3A_340 = arith.constant 0 : i32
      %dma_start3A_341 = tpu.memref_slice %arg7[%add3A_337, %dma_start3A_340] : memref<100x128xi32, #tpu.memory_space<vmem>> -> memref<1x128xi32, #tpu.memory_space<vmem>>
      %dma_start3A_342 = tpu.memref_squeeze %dma_start3A_341 : memref<1x128xi32, #tpu.memory_space<vmem>> -> memref<128xi32, #tpu.memory_space<vmem>>
      %dma_start3A_343 = arith.constant 0 : i32
      %dma_start3A_344 = tpu.memref_slice %arg4[%dma_start3A_343] : memref<100000xf32, #tpu.memory_space<hbm>> -> memref<100000xf32, #tpu.memory_space<hbm>>
      tpu.enqueue_indirect_dma source(%dma_start3A_344 : memref<100000xf32, #tpu.memory_space<hbm>>) target(%dma_start3A_339 : memref<128xf32, #tpu.memory_space<vmem>>) offsets(%dma_start3A_342 : memref<128xi32, #tpu.memory_space<vmem>>) semaphore(%arg12 : memref<!tpu.dma_semaphore, #tpu.memory_space<semaphore_mem>>)
      %ge3A_345 = arith.constant 1 : i32
      %ge3A_346 = arith.cmpi sge, %add3A_222, %ge3A_345 : i32
      %convert_element_type3A_347 = arith.extui %ge3A_346 : i1 to i32
      %cond3A_348 = arith.constant 0 : i32
      %cond3A_349 = arith.cmpi ne, %convert_element_type3A_347, %cond3A_348 : i32
      scf.if %cond3A_349 {
        %sub3A = arith.constant 1 : i32
        %sub3A_484 = arith.subi %add3A_222, %sub3A : i32
        %mul3A_485 = arith.constant 12800 : i32
        %mul3A_486 = arith.muli %add3A, %mul3A_485 : i32
        %mul3A_487 = arith.constant 640 : i32
        %mul3A_488 = arith.muli %sub3A_484, %mul3A_487 : i32
        %add3A_489 = arith.addi %mul3A_486, %mul3A_488 : i32
        %mul3A_490 = arith.constant 5 : i32
        %mul3A_491 = arith.muli %sub3A_484, %mul3A_490 : i32
        %add3A_492 = arith.constant 0 : i32
        %add3A_493 = arith.addi %mul3A_491, %add3A_492 : i32
        %dma_wait3A_494 = arith.constant 0 : i32
        %dma_wait3A_495 = arith.constant 0 : i32
        %dma_wait3A_496 = tpu.memref_slice %arg9[%dma_wait3A_494, %dma_wait3A_495] : memref<640x64xf32, #tpu.memory_space<vmem>> -> memref<128x64xf32, #tpu.memory_space<vmem>>
        %dma_wait3A_497 = arith.constant 0 : i32
        %dma_wait3A_498 = tpu.memref_slice %arg7[%add3A_493, %dma_wait3A_497] : memref<100x128xi32, #tpu.memory_space<vmem>> -> memref<1x128xi32, #tpu.memory_space<vmem>>
        %dma_wait3A_499 = tpu.memref_squeeze %dma_wait3A_498 : memref<1x128xi32, #tpu.memory_space<vmem>> -> memref<128xi32, #tpu.memory_space<vmem>>
        %dma_wait3A_500 = arith.constant 0 : i32
        %dma_wait3A_501 = arith.constant 0 : i32
        %dma_wait3A_502 = tpu.memref_slice %arg3[%dma_wait3A_500, %dma_wait3A_501] : memref<100000x64xf32, #tpu.memory_space<hbm>> -> memref<100000x64xf32, #tpu.memory_space<hbm>>
        tpu.wait_indirect_dma semaphore(%arg13 : memref<!tpu.dma_semaphore, #tpu.memory_space<semaphore_mem>>) src(%dma_wait3A_502 : memref<100000x64xf32, #tpu.memory_space<hbm>>) dst(%dma_wait3A_496 : memref<128x64xf32, #tpu.memory_space<vmem>>)
        %add3A_503 = arith.constant 0 : i32
        %add3A_504 = arith.addi %add3A_489, %add3A_503 : i32
        %dma_start3A_505 = arith.constant 0 : i32
        %dma_start3A_506 = arith.constant 0 : i32
        %dma_start3A_507 = tpu.memref_slice %arg9[%dma_start3A_505, %dma_start3A_506] : memref<640x64xf32, #tpu.memory_space<vmem>> -> memref<128x64xf32, #tpu.memory_space<vmem>>
        %dma_start3A_508 = arith.constant 0 : i32
        %dma_start3A_509 = tpu.memref_slice %arg5[%add3A_504, %dma_start3A_508] : memref<409600x64xf32, #tpu.memory_space<hbm>> -> memref<128x64xf32, #tpu.memory_space<hbm>>
        %dma_start3A_510 = arith.constant 0 : i32
        %dma_start3A_511 = tpu.memref_slice %arg5[%add3A_504, %dma_start3A_510] : memref<409600x64xf32, #tpu.memory_space<hbm>> -> memref<128x64xf32, #tpu.memory_space<hbm>>
        %dma_start3A_512 = arith.constant 0 : i32
        %dma_start3A_513 = arith.constant 0 : i32
        %dma_start3A_514 = tpu.memref_slice %arg9[%dma_start3A_512, %dma_start3A_513] : memref<640x64xf32, #tpu.memory_space<vmem>> -> memref<128x64xf32, #tpu.memory_space<vmem>>
        tpu.enqueue_dma source(%dma_start3A_514 : memref<128x64xf32, #tpu.memory_space<vmem>>) target(%dma_start3A_511 : memref<128x64xf32, #tpu.memory_space<hbm>>) target_semaphore(%arg15 : memref<!tpu.dma_semaphore, #tpu.memory_space<semaphore_mem>>)
        %mul3A_515 = arith.constant 5 : i32
        %mul3A_516 = arith.muli %sub3A_484, %mul3A_515 : i32
        %add3A_517 = arith.constant 0 : i32
        %add3A_518 = arith.addi %mul3A_516, %add3A_517 : i32
        %dma_wait3A_519 = arith.constant 0 : i32
        %dma_wait3A_520 = tpu.memref_slice %arg11[%dma_wait3A_519] : memref<640xf32, #tpu.memory_space<vmem>> -> memref<128xf32, #tpu.memory_space<vmem>>
        %dma_wait3A_521 = arith.constant 0 : i32
        %dma_wait3A_522 = tpu.memref_slice %arg7[%add3A_518, %dma_wait3A_521] : memref<100x128xi32, #tpu.memory_space<vmem>> -> memref<1x128xi32, #tpu.memory_space<vmem>>
        %dma_wait3A_523 = tpu.memref_squeeze %dma_wait3A_522 : memref<1x128xi32, #tpu.memory_space<vmem>> -> memref<128xi32, #tpu.memory_space<vmem>>
        %dma_wait3A_524 = arith.constant 0 : i32
        %dma_wait3A_525 = tpu.memref_slice %arg4[%dma_wait3A_524] : memref<100000xf32, #tpu.memory_space<hbm>> -> memref<100000xf32, #tpu.memory_space<hbm>>
        tpu.wait_indirect_dma semaphore(%arg13 : memref<!tpu.dma_semaphore, #tpu.memory_space<semaphore_mem>>) src(%dma_wait3A_525 : memref<100000xf32, #tpu.memory_space<hbm>>) dst(%dma_wait3A_520 : memref<128xf32, #tpu.memory_space<vmem>>)
        %add3A_526 = arith.constant 0 : i32
        %add3A_527 = arith.addi %add3A_489, %add3A_526 : i32
        %dma_start3A_528 = arith.constant 0 : i32
        %dma_start3A_529 = tpu.memref_slice %arg11[%dma_start3A_528] : memref<640xf32, #tpu.memory_space<vmem>> -> memref<128xf32, #tpu.memory_space<vmem>>
        %dma_start3A_530 = tpu.memref_slice %arg6[%add3A_527] : memref<409600xf32, #tpu.memory_space<hbm>> -> memref<128xf32, #tpu.memory_space<hbm>>
        %dma_start3A_531 = tpu.memref_slice %arg6[%add3A_527] : memref<409600xf32, #tpu.memory_space<hbm>> -> memref<128xf32, #tpu.memory_space<hbm>>
        %dma_start3A_532 = arith.constant 0 : i32
        %dma_start3A_533 = tpu.memref_slice %arg11[%dma_start3A_532] : memref<640xf32, #tpu.memory_space<vmem>> -> memref<128xf32, #tpu.memory_space<vmem>>
        tpu.enqueue_dma source(%dma_start3A_533 : memref<128xf32, #tpu.memory_space<vmem>>) target(%dma_start3A_531 : memref<128xf32, #tpu.memory_space<hbm>>) target_semaphore(%arg15 : memref<!tpu.dma_semaphore, #tpu.memory_space<semaphore_mem>>)
        %mul3A_534 = arith.constant 5 : i32
        %mul3A_535 = arith.muli %sub3A_484, %mul3A_534 : i32
        %add3A_536 = arith.constant 1 : i32
        %add3A_537 = arith.addi %mul3A_535, %add3A_536 : i32
        %dma_wait3A_538 = arith.constant 128 : i32
        %dma_wait3A_539 = arith.constant 0 : i32
        %dma_wait3A_540 = tpu.memref_slice %arg9[%dma_wait3A_538, %dma_wait3A_539] : memref<640x64xf32, #tpu.memory_space<vmem>> -> memref<128x64xf32, #tpu.memory_space<vmem>>
        %dma_wait3A_541 = arith.constant 0 : i32
        %dma_wait3A_542 = tpu.memref_slice %arg7[%add3A_537, %dma_wait3A_541] : memref<100x128xi32, #tpu.memory_space<vmem>> -> memref<1x128xi32, #tpu.memory_space<vmem>>
        %dma_wait3A_543 = tpu.memref_squeeze %dma_wait3A_542 : memref<1x128xi32, #tpu.memory_space<vmem>> -> memref<128xi32, #tpu.memory_space<vmem>>
        %dma_wait3A_544 = arith.constant 0 : i32
        %dma_wait3A_545 = arith.constant 0 : i32
        %dma_wait3A_546 = tpu.memref_slice %arg3[%dma_wait3A_544, %dma_wait3A_545] : memref<100000x64xf32, #tpu.memory_space<hbm>> -> memref<100000x64xf32, #tpu.memory_space<hbm>>
        tpu.wait_indirect_dma semaphore(%arg13 : memref<!tpu.dma_semaphore, #tpu.memory_space<semaphore_mem>>) src(%dma_wait3A_546 : memref<100000x64xf32, #tpu.memory_space<hbm>>) dst(%dma_wait3A_540 : memref<128x64xf32, #tpu.memory_space<vmem>>)
        %add3A_547 = arith.constant 128 : i32
        %add3A_548 = arith.addi %add3A_489, %add3A_547 : i32
        %dma_start3A_549 = arith.constant 128 : i32
        %dma_start3A_550 = arith.constant 0 : i32
        %dma_start3A_551 = tpu.memref_slice %arg9[%dma_start3A_549, %dma_start3A_550] : memref<640x64xf32, #tpu.memory_space<vmem>> -> memref<128x64xf32, #tpu.memory_space<vmem>>
        %dma_start3A_552 = arith.constant 0 : i32
        %dma_start3A_553 = tpu.memref_slice %arg5[%add3A_548, %dma_start3A_552] : memref<409600x64xf32, #tpu.memory_space<hbm>> -> memref<128x64xf32, #tpu.memory_space<hbm>>
        %dma_start3A_554 = arith.constant 0 : i32
        %dma_start3A_555 = tpu.memref_slice %arg5[%add3A_548, %dma_start3A_554] : memref<409600x64xf32, #tpu.memory_space<hbm>> -> memref<128x64xf32, #tpu.memory_space<hbm>>
        %dma_start3A_556 = arith.constant 128 : i32
        %dma_start3A_557 = arith.constant 0 : i32
        %dma_start3A_558 = tpu.memref_slice %arg9[%dma_start3A_556, %dma_start3A_557] : memref<640x64xf32, #tpu.memory_space<vmem>> -> memref<128x64xf32, #tpu.memory_space<vmem>>
        tpu.enqueue_dma source(%dma_start3A_558 : memref<128x64xf32, #tpu.memory_space<vmem>>) target(%dma_start3A_555 : memref<128x64xf32, #tpu.memory_space<hbm>>) target_semaphore(%arg15 : memref<!tpu.dma_semaphore, #tpu.memory_space<semaphore_mem>>)
        %mul3A_559 = arith.constant 5 : i32
        %mul3A_560 = arith.muli %sub3A_484, %mul3A_559 : i32
        %add3A_561 = arith.constant 1 : i32
        %add3A_562 = arith.addi %mul3A_560, %add3A_561 : i32
        %dma_wait3A_563 = arith.constant 128 : i32
        %dma_wait3A_564 = tpu.memref_slice %arg11[%dma_wait3A_563] : memref<640xf32, #tpu.memory_space<vmem>> -> memref<128xf32, #tpu.memory_space<vmem>>
        %dma_wait3A_565 = arith.constant 0 : i32
        %dma_wait3A_566 = tpu.memref_slice %arg7[%add3A_562, %dma_wait3A_565] : memref<100x128xi32, #tpu.memory_space<vmem>> -> memref<1x128xi32, #tpu.memory_space<vmem>>
        %dma_wait3A_567 = tpu.memref_squeeze %dma_wait3A_566 : memref<1x128xi32, #tpu.memory_space<vmem>> -> memref<128xi32, #tpu.memory_space<vmem>>
        %dma_wait3A_568 = arith.constant 0 : i32
        %dma_wait3A_569 = tpu.memref_slice %arg4[%dma_wait3A_568] : memref<100000xf32, #tpu.memory_space<hbm>> -> memref<100000xf32, #tpu.memory_space<hbm>>
        tpu.wait_indirect_dma semaphore(%arg13 : memref<!tpu.dma_semaphore, #tpu.memory_space<semaphore_mem>>) src(%dma_wait3A_569 : memref<100000xf32, #tpu.memory_space<hbm>>) dst(%dma_wait3A_564 : memref<128xf32, #tpu.memory_space<vmem>>)
        %add3A_570 = arith.constant 128 : i32
        %add3A_571 = arith.addi %add3A_489, %add3A_570 : i32
        %dma_start3A_572 = arith.constant 128 : i32
        %dma_start3A_573 = tpu.memref_slice %arg11[%dma_start3A_572] : memref<640xf32, #tpu.memory_space<vmem>> -> memref<128xf32, #tpu.memory_space<vmem>>
        %dma_start3A_574 = tpu.memref_slice %arg6[%add3A_571] : memref<409600xf32, #tpu.memory_space<hbm>> -> memref<128xf32, #tpu.memory_space<hbm>>
        %dma_start3A_575 = tpu.memref_slice %arg6[%add3A_571] : memref<409600xf32, #tpu.memory_space<hbm>> -> memref<128xf32, #tpu.memory_space<hbm>>
        %dma_start3A_576 = arith.constant 128 : i32
        %dma_start3A_577 = tpu.memref_slice %arg11[%dma_start3A_576] : memref<640xf32, #tpu.memory_space<vmem>> -> memref<128xf32, #tpu.memory_space<vmem>>
        tpu.enqueue_dma source(%dma_start3A_577 : memref<128xf32, #tpu.memory_space<vmem>>) target(%dma_start3A_575 : memref<128xf32, #tpu.memory_space<hbm>>) target_semaphore(%arg15 : memref<!tpu.dma_semaphore, #tpu.memory_space<semaphore_mem>>)
        %mul3A_578 = arith.constant 5 : i32
        %mul3A_579 = arith.muli %sub3A_484, %mul3A_578 : i32
        %add3A_580 = arith.constant 2 : i32
        %add3A_581 = arith.addi %mul3A_579, %add3A_580 : i32
        %dma_wait3A_582 = arith.constant 256 : i32
        %dma_wait3A_583 = arith.constant 0 : i32
        %dma_wait3A_584 = tpu.memref_slice %arg9[%dma_wait3A_582, %dma_wait3A_583] : memref<640x64xf32, #tpu.memory_space<vmem>> -> memref<128x64xf32, #tpu.memory_space<vmem>>
        %dma_wait3A_585 = arith.constant 0 : i32
        %dma_wait3A_586 = tpu.memref_slice %arg7[%add3A_581, %dma_wait3A_585] : memref<100x128xi32, #tpu.memory_space<vmem>> -> memref<1x128xi32, #tpu.memory_space<vmem>>
        %dma_wait3A_587 = tpu.memref_squeeze %dma_wait3A_586 : memref<1x128xi32, #tpu.memory_space<vmem>> -> memref<128xi32, #tpu.memory_space<vmem>>
        %dma_wait3A_588 = arith.constant 0 : i32
        %dma_wait3A_589 = arith.constant 0 : i32
        %dma_wait3A_590 = tpu.memref_slice %arg3[%dma_wait3A_588, %dma_wait3A_589] : memref<100000x64xf32, #tpu.memory_space<hbm>> -> memref<100000x64xf32, #tpu.memory_space<hbm>>
        tpu.wait_indirect_dma semaphore(%arg13 : memref<!tpu.dma_semaphore, #tpu.memory_space<semaphore_mem>>) src(%dma_wait3A_590 : memref<100000x64xf32, #tpu.memory_space<hbm>>) dst(%dma_wait3A_584 : memref<128x64xf32, #tpu.memory_space<vmem>>)
        %add3A_591 = arith.constant 256 : i32
        %add3A_592 = arith.addi %add3A_489, %add3A_591 : i32
        %dma_start3A_593 = arith.constant 256 : i32
        %dma_start3A_594 = arith.constant 0 : i32
        %dma_start3A_595 = tpu.memref_slice %arg9[%dma_start3A_593, %dma_start3A_594] : memref<640x64xf32, #tpu.memory_space<vmem>> -> memref<128x64xf32, #tpu.memory_space<vmem>>
        %dma_start3A_596 = arith.constant 0 : i32
        %dma_start3A_597 = tpu.memref_slice %arg5[%add3A_592, %dma_start3A_596] : memref<409600x64xf32, #tpu.memory_space<hbm>> -> memref<128x64xf32, #tpu.memory_space<hbm>>
        %dma_start3A_598 = arith.constant 0 : i32
        %dma_start3A_599 = tpu.memref_slice %arg5[%add3A_592, %dma_start3A_598] : memref<409600x64xf32, #tpu.memory_space<hbm>> -> memref<128x64xf32, #tpu.memory_space<hbm>>
        %dma_start3A_600 = arith.constant 256 : i32
        %dma_start3A_601 = arith.constant 0 : i32
        %dma_start3A_602 = tpu.memref_slice %arg9[%dma_start3A_600, %dma_start3A_601] : memref<640x64xf32, #tpu.memory_space<vmem>> -> memref<128x64xf32, #tpu.memory_space<vmem>>
        tpu.enqueue_dma source(%dma_start3A_602 : memref<128x64xf32, #tpu.memory_space<vmem>>) target(%dma_start3A_599 : memref<128x64xf32, #tpu.memory_space<hbm>>) target_semaphore(%arg15 : memref<!tpu.dma_semaphore, #tpu.memory_space<semaphore_mem>>)
        %mul3A_603 = arith.constant 5 : i32
        %mul3A_604 = arith.muli %sub3A_484, %mul3A_603 : i32
        %add3A_605 = arith.constant 2 : i32
        %add3A_606 = arith.addi %mul3A_604, %add3A_605 : i32
        %dma_wait3A_607 = arith.constant 256 : i32
        %dma_wait3A_608 = tpu.memref_slice %arg11[%dma_wait3A_607] : memref<640xf32, #tpu.memory_space<vmem>> -> memref<128xf32, #tpu.memory_space<vmem>>
        %dma_wait3A_609 = arith.constant 0 : i32
        %dma_wait3A_610 = tpu.memref_slice %arg7[%add3A_606, %dma_wait3A_609] : memref<100x128xi32, #tpu.memory_space<vmem>> -> memref<1x128xi32, #tpu.memory_space<vmem>>
        %dma_wait3A_611 = tpu.memref_squeeze %dma_wait3A_610 : memref<1x128xi32, #tpu.memory_space<vmem>> -> memref<128xi32, #tpu.memory_space<vmem>>
        %dma_wait3A_612 = arith.constant 0 : i32
        %dma_wait3A_613 = tpu.memref_slice %arg4[%dma_wait3A_612] : memref<100000xf32, #tpu.memory_space<hbm>> -> memref<100000xf32, #tpu.memory_space<hbm>>
        tpu.wait_indirect_dma semaphore(%arg13 : memref<!tpu.dma_semaphore, #tpu.memory_space<semaphore_mem>>) src(%dma_wait3A_613 : memref<100000xf32, #tpu.memory_space<hbm>>) dst(%dma_wait3A_608 : memref<128xf32, #tpu.memory_space<vmem>>)
        %add3A_614 = arith.constant 256 : i32
        %add3A_615 = arith.addi %add3A_489, %add3A_614 : i32
        %dma_start3A_616 = arith.constant 256 : i32
        %dma_start3A_617 = tpu.memref_slice %arg11[%dma_start3A_616] : memref<640xf32, #tpu.memory_space<vmem>> -> memref<128xf32, #tpu.memory_space<vmem>>
        %dma_start3A_618 = tpu.memref_slice %arg6[%add3A_615] : memref<409600xf32, #tpu.memory_space<hbm>> -> memref<128xf32, #tpu.memory_space<hbm>>
        %dma_start3A_619 = tpu.memref_slice %arg6[%add3A_615] : memref<409600xf32, #tpu.memory_space<hbm>> -> memref<128xf32, #tpu.memory_space<hbm>>
        %dma_start3A_620 = arith.constant 256 : i32
        %dma_start3A_621 = tpu.memref_slice %arg11[%dma_start3A_620] : memref<640xf32, #tpu.memory_space<vmem>> -> memref<128xf32, #tpu.memory_space<vmem>>
        tpu.enqueue_dma source(%dma_start3A_621 : memref<128xf32, #tpu.memory_space<vmem>>) target(%dma_start3A_619 : memref<128xf32, #tpu.memory_space<hbm>>) target_semaphore(%arg15 : memref<!tpu.dma_semaphore, #tpu.memory_space<semaphore_mem>>)
        %mul3A_622 = arith.constant 5 : i32
        %mul3A_623 = arith.muli %sub3A_484, %mul3A_622 : i32
        %add3A_624 = arith.constant 3 : i32
        %add3A_625 = arith.addi %mul3A_623, %add3A_624 : i32
        %dma_wait3A_626 = arith.constant 384 : i32
        %dma_wait3A_627 = arith.constant 0 : i32
        %dma_wait3A_628 = tpu.memref_slice %arg9[%dma_wait3A_626, %dma_wait3A_627] : memref<640x64xf32, #tpu.memory_space<vmem>> -> memref<128x64xf32, #tpu.memory_space<vmem>>
        %dma_wait3A_629 = arith.constant 0 : i32
        %dma_wait3A_630 = tpu.memref_slice %arg7[%add3A_625, %dma_wait3A_629] : memref<100x128xi32, #tpu.memory_space<vmem>> -> memref<1x128xi32, #tpu.memory_space<vmem>>
        %dma_wait3A_631 = tpu.memref_squeeze %dma_wait3A_630 : memref<1x128xi32, #tpu.memory_space<vmem>> -> memref<128xi32, #tpu.memory_space<vmem>>
        %dma_wait3A_632 = arith.constant 0 : i32
        %dma_wait3A_633 = arith.constant 0 : i32
        %dma_wait3A_634 = tpu.memref_slice %arg3[%dma_wait3A_632, %dma_wait3A_633] : memref<100000x64xf32, #tpu.memory_space<hbm>> -> memref<100000x64xf32, #tpu.memory_space<hbm>>
        tpu.wait_indirect_dma semaphore(%arg13 : memref<!tpu.dma_semaphore, #tpu.memory_space<semaphore_mem>>) src(%dma_wait3A_634 : memref<100000x64xf32, #tpu.memory_space<hbm>>) dst(%dma_wait3A_628 : memref<128x64xf32, #tpu.memory_space<vmem>>)
        %add3A_635 = arith.constant 384 : i32
        %add3A_636 = arith.addi %add3A_489, %add3A_635 : i32
        %dma_start3A_637 = arith.constant 384 : i32
        %dma_start3A_638 = arith.constant 0 : i32
        %dma_start3A_639 = tpu.memref_slice %arg9[%dma_start3A_637, %dma_start3A_638] : memref<640x64xf32, #tpu.memory_space<vmem>> -> memref<128x64xf32, #tpu.memory_space<vmem>>
        %dma_start3A_640 = arith.constant 0 : i32
        %dma_start3A_641 = tpu.memref_slice %arg5[%add3A_636, %dma_start3A_640] : memref<409600x64xf32, #tpu.memory_space<hbm>> -> memref<128x64xf32, #tpu.memory_space<hbm>>
        %dma_start3A_642 = arith.constant 0 : i32
        %dma_start3A_643 = tpu.memref_slice %arg5[%add3A_636, %dma_start3A_642] : memref<409600x64xf32, #tpu.memory_space<hbm>> -> memref<128x64xf32, #tpu.memory_space<hbm>>
        %dma_start3A_644 = arith.constant 384 : i32
        %dma_start3A_645 = arith.constant 0 : i32
        %dma_start3A_646 = tpu.memref_slice %arg9[%dma_start3A_644, %dma_start3A_645] : memref<640x64xf32, #tpu.memory_space<vmem>> -> memref<128x64xf32, #tpu.memory_space<vmem>>
        tpu.enqueue_dma source(%dma_start3A_646 : memref<128x64xf32, #tpu.memory_space<vmem>>) target(%dma_start3A_643 : memref<128x64xf32, #tpu.memory_space<hbm>>) target_semaphore(%arg15 : memref<!tpu.dma_semaphore, #tpu.memory_space<semaphore_mem>>)
        %mul3A_647 = arith.constant 5 : i32
        %mul3A_648 = arith.muli %sub3A_484, %mul3A_647 : i32
        %add3A_649 = arith.constant 3 : i32
        %add3A_650 = arith.addi %mul3A_648, %add3A_649 : i32
        %dma_wait3A_651 = arith.constant 384 : i32
        %dma_wait3A_652 = tpu.memref_slice %arg11[%dma_wait3A_651] : memref<640xf32, #tpu.memory_space<vmem>> -> memref<128xf32, #tpu.memory_space<vmem>>
        %dma_wait3A_653 = arith.constant 0 : i32
        %dma_wait3A_654 = tpu.memref_slice %arg7[%add3A_650, %dma_wait3A_653] : memref<100x128xi32, #tpu.memory_space<vmem>> -> memref<1x128xi32, #tpu.memory_space<vmem>>
        %dma_wait3A_655 = tpu.memref_squeeze %dma_wait3A_654 : memref<1x128xi32, #tpu.memory_space<vmem>> -> memref<128xi32, #tpu.memory_space<vmem>>
        %dma_wait3A_656 = arith.constant 0 : i32
        %dma_wait3A_657 = tpu.memref_slice %arg4[%dma_wait3A_656] : memref<100000xf32, #tpu.memory_space<hbm>> -> memref<100000xf32, #tpu.memory_space<hbm>>
        tpu.wait_indirect_dma semaphore(%arg13 : memref<!tpu.dma_semaphore, #tpu.memory_space<semaphore_mem>>) src(%dma_wait3A_657 : memref<100000xf32, #tpu.memory_space<hbm>>) dst(%dma_wait3A_652 : memref<128xf32, #tpu.memory_space<vmem>>)
        %add3A_658 = arith.constant 384 : i32
        %add3A_659 = arith.addi %add3A_489, %add3A_658 : i32
        %dma_start3A_660 = arith.constant 384 : i32
        %dma_start3A_661 = tpu.memref_slice %arg11[%dma_start3A_660] : memref<640xf32, #tpu.memory_space<vmem>> -> memref<128xf32, #tpu.memory_space<vmem>>
        %dma_start3A_662 = tpu.memref_slice %arg6[%add3A_659] : memref<409600xf32, #tpu.memory_space<hbm>> -> memref<128xf32, #tpu.memory_space<hbm>>
        %dma_start3A_663 = tpu.memref_slice %arg6[%add3A_659] : memref<409600xf32, #tpu.memory_space<hbm>> -> memref<128xf32, #tpu.memory_space<hbm>>
        %dma_start3A_664 = arith.constant 384 : i32
        %dma_start3A_665 = tpu.memref_slice %arg11[%dma_start3A_664] : memref<640xf32, #tpu.memory_space<vmem>> -> memref<128xf32, #tpu.memory_space<vmem>>
        tpu.enqueue_dma source(%dma_start3A_665 : memref<128xf32, #tpu.memory_space<vmem>>) target(%dma_start3A_663 : memref<128xf32, #tpu.memory_space<hbm>>) target_semaphore(%arg15 : memref<!tpu.dma_semaphore, #tpu.memory_space<semaphore_mem>>)
        %mul3A_666 = arith.constant 5 : i32
        %mul3A_667 = arith.muli %sub3A_484, %mul3A_666 : i32
        %add3A_668 = arith.constant 4 : i32
        %add3A_669 = arith.addi %mul3A_667, %add3A_668 : i32
        %dma_wait3A_670 = arith.constant 512 : i32
        %dma_wait3A_671 = arith.constant 0 : i32
        %dma_wait3A_672 = tpu.memref_slice %arg9[%dma_wait3A_670, %dma_wait3A_671] : memref<640x64xf32, #tpu.memory_space<vmem>> -> memref<128x64xf32, #tpu.memory_space<vmem>>
        %dma_wait3A_673 = arith.constant 0 : i32
        %dma_wait3A_674 = tpu.memref_slice %arg7[%add3A_669, %dma_wait3A_673] : memref<100x128xi32, #tpu.memory_space<vmem>> -> memref<1x128xi32, #tpu.memory_space<vmem>>
        %dma_wait3A_675 = tpu.memref_squeeze %dma_wait3A_674 : memref<1x128xi32, #tpu.memory_space<vmem>> -> memref<128xi32, #tpu.memory_space<vmem>>
        %dma_wait3A_676 = arith.constant 0 : i32
        %dma_wait3A_677 = arith.constant 0 : i32
        %dma_wait3A_678 = tpu.memref_slice %arg3[%dma_wait3A_676, %dma_wait3A_677] : memref<100000x64xf32, #tpu.memory_space<hbm>> -> memref<100000x64xf32, #tpu.memory_space<hbm>>
        tpu.wait_indirect_dma semaphore(%arg13 : memref<!tpu.dma_semaphore, #tpu.memory_space<semaphore_mem>>) src(%dma_wait3A_678 : memref<100000x64xf32, #tpu.memory_space<hbm>>) dst(%dma_wait3A_672 : memref<128x64xf32, #tpu.memory_space<vmem>>)
        %add3A_679 = arith.constant 512 : i32
        %add3A_680 = arith.addi %add3A_489, %add3A_679 : i32
        %dma_start3A_681 = arith.constant 512 : i32
        %dma_start3A_682 = arith.constant 0 : i32
        %dma_start3A_683 = tpu.memref_slice %arg9[%dma_start3A_681, %dma_start3A_682] : memref<640x64xf32, #tpu.memory_space<vmem>> -> memref<128x64xf32, #tpu.memory_space<vmem>>
        %dma_start3A_684 = arith.constant 0 : i32
        %dma_start3A_685 = tpu.memref_slice %arg5[%add3A_680, %dma_start3A_684] : memref<409600x64xf32, #tpu.memory_space<hbm>> -> memref<128x64xf32, #tpu.memory_space<hbm>>
        %dma_start3A_686 = arith.constant 0 : i32
        %dma_start3A_687 = tpu.memref_slice %arg5[%add3A_680, %dma_start3A_686] : memref<409600x64xf32, #tpu.memory_space<hbm>> -> memref<128x64xf32, #tpu.memory_space<hbm>>
        %dma_start3A_688 = arith.constant 512 : i32
        %dma_start3A_689 = arith.constant 0 : i32
        %dma_start3A_690 = tpu.memref_slice %arg9[%dma_start3A_688, %dma_start3A_689] : memref<640x64xf32, #tpu.memory_space<vmem>> -> memref<128x64xf32, #tpu.memory_space<vmem>>
        tpu.enqueue_dma source(%dma_start3A_690 : memref<128x64xf32, #tpu.memory_space<vmem>>) target(%dma_start3A_687 : memref<128x64xf32, #tpu.memory_space<hbm>>) target_semaphore(%arg15 : memref<!tpu.dma_semaphore, #tpu.memory_space<semaphore_mem>>)
        %mul3A_691 = arith.constant 5 : i32
        %mul3A_692 = arith.muli %sub3A_484, %mul3A_691 : i32
        %add3A_693 = arith.constant 4 : i32
        %add3A_694 = arith.addi %mul3A_692, %add3A_693 : i32
        %dma_wait3A_695 = arith.constant 512 : i32
        %dma_wait3A_696 = tpu.memref_slice %arg11[%dma_wait3A_695] : memref<640xf32, #tpu.memory_space<vmem>> -> memref<128xf32, #tpu.memory_space<vmem>>
        %dma_wait3A_697 = arith.constant 0 : i32
        %dma_wait3A_698 = tpu.memref_slice %arg7[%add3A_694, %dma_wait3A_697] : memref<100x128xi32, #tpu.memory_space<vmem>> -> memref<1x128xi32, #tpu.memory_space<vmem>>
        %dma_wait3A_699 = tpu.memref_squeeze %dma_wait3A_698 : memref<1x128xi32, #tpu.memory_space<vmem>> -> memref<128xi32, #tpu.memory_space<vmem>>
        %dma_wait3A_700 = arith.constant 0 : i32
        %dma_wait3A_701 = tpu.memref_slice %arg4[%dma_wait3A_700] : memref<100000xf32, #tpu.memory_space<hbm>> -> memref<100000xf32, #tpu.memory_space<hbm>>
        tpu.wait_indirect_dma semaphore(%arg13 : memref<!tpu.dma_semaphore, #tpu.memory_space<semaphore_mem>>) src(%dma_wait3A_701 : memref<100000xf32, #tpu.memory_space<hbm>>) dst(%dma_wait3A_696 : memref<128xf32, #tpu.memory_space<vmem>>)
        %add3A_702 = arith.constant 512 : i32
        %add3A_703 = arith.addi %add3A_489, %add3A_702 : i32
        %dma_start3A_704 = arith.constant 512 : i32
        %dma_start3A_705 = tpu.memref_slice %arg11[%dma_start3A_704] : memref<640xf32, #tpu.memory_space<vmem>> -> memref<128xf32, #tpu.memory_space<vmem>>
        %dma_start3A_706 = tpu.memref_slice %arg6[%add3A_703] : memref<409600xf32, #tpu.memory_space<hbm>> -> memref<128xf32, #tpu.memory_space<hbm>>
        %dma_start3A_707 = tpu.memref_slice %arg6[%add3A_703] : memref<409600xf32, #tpu.memory_space<hbm>> -> memref<128xf32, #tpu.memory_space<hbm>>
        %dma_start3A_708 = arith.constant 512 : i32
        %dma_start3A_709 = tpu.memref_slice %arg11[%dma_start3A_708] : memref<640xf32, #tpu.memory_space<vmem>> -> memref<128xf32, #tpu.memory_space<vmem>>
        tpu.enqueue_dma source(%dma_start3A_709 : memref<128xf32, #tpu.memory_space<vmem>>) target(%dma_start3A_707 : memref<128xf32, #tpu.memory_space<hbm>>) target_semaphore(%arg15 : memref<!tpu.dma_semaphore, #tpu.memory_space<semaphore_mem>>)
      } else {
      }
      %mul3A_350 = arith.constant 2 : i32
      %mul3A_351 = arith.muli %scan3A_218, %mul3A_350 : i32
      %add3A_352 = arith.constant 1 : i32
      %add3A_353 = arith.addi %mul3A_351, %add3A_352 : i32
      %ge3A_354 = arith.constant 2 : i32
      %ge3A_355 = arith.cmpi sge, %add3A_353, %ge3A_354 : i32
      %convert_element_type3A_356 = arith.extui %ge3A_355 : i1 to i32
      %cond3A_357 = arith.constant 0 : i32
      %cond3A_358 = arith.cmpi ne, %convert_element_type3A_356, %cond3A_357 : i32
      scf.if %cond3A_358 {
        %sub3A = arith.constant 2 : i32
        %sub3A_484 = arith.subi %add3A_353, %sub3A : i32
        %mul3A_485 = arith.constant 12800 : i32
        %mul3A_486 = arith.muli %add3A, %mul3A_485 : i32
        %mul3A_487 = arith.constant 640 : i32
        %mul3A_488 = arith.muli %sub3A_484, %mul3A_487 : i32
        %add3A_489 = arith.addi %mul3A_486, %mul3A_488 : i32
        %dma_wait3A_490 = arith.constant 0 : i32
        %dma_wait3A_491 = tpu.memref_slice %arg5[%add3A_489, %dma_wait3A_490] : memref<409600x64xf32, #tpu.memory_space<hbm>> -> memref<640x64xf32, #tpu.memory_space<hbm>>
        %dma_wait3A_492 = arith.constant 0 : i32
        %dma_wait3A_493 = tpu.memref_slice %arg5[%add3A_489, %dma_wait3A_492] : memref<409600x64xf32, #tpu.memory_space<hbm>> -> memref<640x64xf32, #tpu.memory_space<hbm>>
        tpu.wait_dma2 semaphore(%arg15 : memref<!tpu.dma_semaphore, #tpu.memory_space<semaphore_mem>>) src(%arg9 : memref<640x64xf32, #tpu.memory_space<vmem>>) dst(%dma_wait3A_493 : memref<640x64xf32, #tpu.memory_space<hbm>>)
        %dma_wait3A_494 = tpu.memref_slice %arg6[%add3A_489] : memref<409600xf32, #tpu.memory_space<hbm>> -> memref<640xf32, #tpu.memory_space<hbm>>
        %dma_wait3A_495 = tpu.memref_slice %arg6[%add3A_489] : memref<409600xf32, #tpu.memory_space<hbm>> -> memref<640xf32, #tpu.memory_space<hbm>>
        tpu.wait_dma2 semaphore(%arg15 : memref<!tpu.dma_semaphore, #tpu.memory_space<semaphore_mem>>) src(%arg11 : memref<640xf32, #tpu.memory_space<vmem>>) dst(%dma_wait3A_495 : memref<640xf32, #tpu.memory_space<hbm>>)
      } else {
      }
      %mul3A_359 = arith.constant 5 : i32
      %mul3A_360 = arith.muli %add3A_353, %mul3A_359 : i32
      %add3A_361 = arith.constant 0 : i32
      %add3A_362 = arith.addi %mul3A_360, %add3A_361 : i32
      %dma_start3A_363 = arith.constant 0 : i32
      %dma_start3A_364 = arith.constant 0 : i32
      %dma_start3A_365 = tpu.memref_slice %arg9[%dma_start3A_363, %dma_start3A_364] : memref<640x64xf32, #tpu.memory_space<vmem>> -> memref<128x64xf32, #tpu.memory_space<vmem>>
      %dma_start3A_366 = arith.constant 0 : i32
      %dma_start3A_367 = tpu.memref_slice %arg7[%add3A_362, %dma_start3A_366] : memref<100x128xi32, #tpu.memory_space<vmem>> -> memref<1x128xi32, #tpu.memory_space<vmem>>
      %dma_start3A_368 = tpu.memref_squeeze %dma_start3A_367 : memref<1x128xi32, #tpu.memory_space<vmem>> -> memref<128xi32, #tpu.memory_space<vmem>>
      %dma_start3A_369 = arith.constant 0 : i32
      %dma_start3A_370 = arith.constant 0 : i32
      %dma_start3A_371 = tpu.memref_slice %arg3[%dma_start3A_369, %dma_start3A_370] : memref<100000x64xf32, #tpu.memory_space<hbm>> -> memref<100000x64xf32, #tpu.memory_space<hbm>>
      tpu.enqueue_indirect_dma source(%dma_start3A_371 : memref<100000x64xf32, #tpu.memory_space<hbm>>) target(%dma_start3A_365 : memref<128x64xf32, #tpu.memory_space<vmem>>) offsets(%dma_start3A_368 : memref<128xi32, #tpu.memory_space<vmem>>) semaphore(%arg13 : memref<!tpu.dma_semaphore, #tpu.memory_space<semaphore_mem>>)
      %mul3A_372 = arith.constant 5 : i32
      %mul3A_373 = arith.muli %add3A_353, %mul3A_372 : i32
      %add3A_374 = arith.constant 0 : i32
      %add3A_375 = arith.addi %mul3A_373, %add3A_374 : i32
      %dma_start3A_376 = arith.constant 0 : i32
      %dma_start3A_377 = tpu.memref_slice %arg11[%dma_start3A_376] : memref<640xf32, #tpu.memory_space<vmem>> -> memref<128xf32, #tpu.memory_space<vmem>>
      %dma_start3A_378 = arith.constant 0 : i32
      %dma_start3A_379 = tpu.memref_slice %arg7[%add3A_375, %dma_start3A_378] : memref<100x128xi32, #tpu.memory_space<vmem>> -> memref<1x128xi32, #tpu.memory_space<vmem>>
      %dma_start3A_380 = tpu.memref_squeeze %dma_start3A_379 : memref<1x128xi32, #tpu.memory_space<vmem>> -> memref<128xi32, #tpu.memory_space<vmem>>
      %dma_start3A_381 = arith.constant 0 : i32
      %dma_start3A_382 = tpu.memref_slice %arg4[%dma_start3A_381] : memref<100000xf32, #tpu.memory_space<hbm>> -> memref<100000xf32, #tpu.memory_space<hbm>>
      tpu.enqueue_indirect_dma source(%dma_start3A_382 : memref<100000xf32, #tpu.memory_space<hbm>>) target(%dma_start3A_377 : memref<128xf32, #tpu.memory_space<vmem>>) offsets(%dma_start3A_380 : memref<128xi32, #tpu.memory_space<vmem>>) semaphore(%arg13 : memref<!tpu.dma_semaphore, #tpu.memory_space<semaphore_mem>>)
      %mul3A_383 = arith.constant 5 : i32
      %mul3A_384 = arith.muli %add3A_353, %mul3A_383 : i32
      %add3A_385 = arith.constant 1 : i32
      %add3A_386 = arith.addi %mul3A_384, %add3A_385 : i32
      %dma_start3A_387 = arith.constant 128 : i32
      %dma_start3A_388 = arith.constant 0 : i32
      %dma_start3A_389 = tpu.memref_slice %arg9[%dma_start3A_387, %dma_start3A_388] : memref<640x64xf32, #tpu.memory_space<vmem>> -> memref<128x64xf32, #tpu.memory_space<vmem>>
      %dma_start3A_390 = arith.constant 0 : i32
      %dma_start3A_391 = tpu.memref_slice %arg7[%add3A_386, %dma_start3A_390] : memref<100x128xi32, #tpu.memory_space<vmem>> -> memref<1x128xi32, #tpu.memory_space<vmem>>
      %dma_start3A_392 = tpu.memref_squeeze %dma_start3A_391 : memref<1x128xi32, #tpu.memory_space<vmem>> -> memref<128xi32, #tpu.memory_space<vmem>>
      %dma_start3A_393 = arith.constant 0 : i32
      %dma_start3A_394 = arith.constant 0 : i32
      %dma_start3A_395 = tpu.memref_slice %arg3[%dma_start3A_393, %dma_start3A_394] : memref<100000x64xf32, #tpu.memory_space<hbm>> -> memref<100000x64xf32, #tpu.memory_space<hbm>>
      tpu.enqueue_indirect_dma source(%dma_start3A_395 : memref<100000x64xf32, #tpu.memory_space<hbm>>) target(%dma_start3A_389 : memref<128x64xf32, #tpu.memory_space<vmem>>) offsets(%dma_start3A_392 : memref<128xi32, #tpu.memory_space<vmem>>) semaphore(%arg13 : memref<!tpu.dma_semaphore, #tpu.memory_space<semaphore_mem>>)
      %mul3A_396 = arith.constant 5 : i32
      %mul3A_397 = arith.muli %add3A_353, %mul3A_396 : i32
      %add3A_398 = arith.constant 1 : i32
      %add3A_399 = arith.addi %mul3A_397, %add3A_398 : i32
      %dma_start3A_400 = arith.constant 128 : i32
      %dma_start3A_401 = tpu.memref_slice %arg11[%dma_start3A_400] : memref<640xf32, #tpu.memory_space<vmem>> -> memref<128xf32, #tpu.memory_space<vmem>>
      %dma_start3A_402 = arith.constant 0 : i32
      %dma_start3A_403 = tpu.memref_slice %arg7[%add3A_399, %dma_start3A_402] : memref<100x128xi32, #tpu.memory_space<vmem>> -> memref<1x128xi32, #tpu.memory_space<vmem>>
      %dma_start3A_404 = tpu.memref_squeeze %dma_start3A_403 : memref<1x128xi32, #tpu.memory_space<vmem>> -> memref<128xi32, #tpu.memory_space<vmem>>
      %dma_start3A_405 = arith.constant 0 : i32
      %dma_start3A_406 = tpu.memref_slice %arg4[%dma_start3A_405] : memref<100000xf32, #tpu.memory_space<hbm>> -> memref<100000xf32, #tpu.memory_space<hbm>>
      tpu.enqueue_indirect_dma source(%dma_start3A_406 : memref<100000xf32, #tpu.memory_space<hbm>>) target(%dma_start3A_401 : memref<128xf32, #tpu.memory_space<vmem>>) offsets(%dma_start3A_404 : memref<128xi32, #tpu.memory_space<vmem>>) semaphore(%arg13 : memref<!tpu.dma_semaphore, #tpu.memory_space<semaphore_mem>>)
      %mul3A_407 = arith.constant 5 : i32
      %mul3A_408 = arith.muli %add3A_353, %mul3A_407 : i32
      %add3A_409 = arith.constant 2 : i32
      %add3A_410 = arith.addi %mul3A_408, %add3A_409 : i32
      %dma_start3A_411 = arith.constant 256 : i32
      %dma_start3A_412 = arith.constant 0 : i32
      %dma_start3A_413 = tpu.memref_slice %arg9[%dma_start3A_411, %dma_start3A_412] : memref<640x64xf32, #tpu.memory_space<vmem>> -> memref<128x64xf32, #tpu.memory_space<vmem>>
      %dma_start3A_414 = arith.constant 0 : i32
      %dma_start3A_415 = tpu.memref_slice %arg7[%add3A_410, %dma_start3A_414] : memref<100x128xi32, #tpu.memory_space<vmem>> -> memref<1x128xi32, #tpu.memory_space<vmem>>
      %dma_start3A_416 = tpu.memref_squeeze %dma_start3A_415 : memref<1x128xi32, #tpu.memory_space<vmem>> -> memref<128xi32, #tpu.memory_space<vmem>>
      %dma_start3A_417 = arith.constant 0 : i32
      %dma_start3A_418 = arith.constant 0 : i32
      %dma_start3A_419 = tpu.memref_slice %arg3[%dma_start3A_417, %dma_start3A_418] : memref<100000x64xf32, #tpu.memory_space<hbm>> -> memref<100000x64xf32, #tpu.memory_space<hbm>>
      tpu.enqueue_indirect_dma source(%dma_start3A_419 : memref<100000x64xf32, #tpu.memory_space<hbm>>) target(%dma_start3A_413 : memref<128x64xf32, #tpu.memory_space<vmem>>) offsets(%dma_start3A_416 : memref<128xi32, #tpu.memory_space<vmem>>) semaphore(%arg13 : memref<!tpu.dma_semaphore, #tpu.memory_space<semaphore_mem>>)
      %mul3A_420 = arith.constant 5 : i32
      %mul3A_421 = arith.muli %add3A_353, %mul3A_420 : i32
      %add3A_422 = arith.constant 2 : i32
      %add3A_423 = arith.addi %mul3A_421, %add3A_422 : i32
      %dma_start3A_424 = arith.constant 256 : i32
      %dma_start3A_425 = tpu.memref_slice %arg11[%dma_start3A_424] : memref<640xf32, #tpu.memory_space<vmem>> -> memref<128xf32, #tpu.memory_space<vmem>>
      %dma_start3A_426 = arith.constant 0 : i32
      %dma_start3A_427 = tpu.memref_slice %arg7[%add3A_423, %dma_start3A_426] : memref<100x128xi32, #tpu.memory_space<vmem>> -> memref<1x128xi32, #tpu.memory_space<vmem>>
      %dma_start3A_428 = tpu.memref_squeeze %dma_start3A_427 : memref<1x128xi32, #tpu.memory_space<vmem>> -> memref<128xi32, #tpu.memory_space<vmem>>
      %dma_start3A_429 = arith.constant 0 : i32
      %dma_start3A_430 = tpu.memref_slice %arg4[%dma_start3A_429] : memref<100000xf32, #tpu.memory_space<hbm>> -> memref<100000xf32, #tpu.memory_space<hbm>>
      tpu.enqueue_indirect_dma source(%dma_start3A_430 : memref<100000xf32, #tpu.memory_space<hbm>>) target(%dma_start3A_425 : memref<128xf32, #tpu.memory_space<vmem>>) offsets(%dma_start3A_428 : memref<128xi32, #tpu.memory_space<vmem>>) semaphore(%arg13 : memref<!tpu.dma_semaphore, #tpu.memory_space<semaphore_mem>>)
      %mul3A_431 = arith.constant 5 : i32
      %mul3A_432 = arith.muli %add3A_353, %mul3A_431 : i32
      %add3A_433 = arith.constant 3 : i32
      %add3A_434 = arith.addi %mul3A_432, %add3A_433 : i32
      %dma_start3A_435 = arith.constant 384 : i32
      %dma_start3A_436 = arith.constant 0 : i32
      %dma_start3A_437 = tpu.memref_slice %arg9[%dma_start3A_435, %dma_start3A_436] : memref<640x64xf32, #tpu.memory_space<vmem>> -> memref<128x64xf32, #tpu.memory_space<vmem>>
      %dma_start3A_438 = arith.constant 0 : i32
      %dma_start3A_439 = tpu.memref_slice %arg7[%add3A_434, %dma_start3A_438] : memref<100x128xi32, #tpu.memory_space<vmem>> -> memref<1x128xi32, #tpu.memory_space<vmem>>
      %dma_start3A_440 = tpu.memref_squeeze %dma_start3A_439 : memref<1x128xi32, #tpu.memory_space<vmem>> -> memref<128xi32, #tpu.memory_space<vmem>>
      %dma_start3A_441 = arith.constant 0 : i32
      %dma_start3A_442 = arith.constant 0 : i32
      %dma_start3A_443 = tpu.memref_slice %arg3[%dma_start3A_441, %dma_start3A_442] : memref<100000x64xf32, #tpu.memory_space<hbm>> -> memref<100000x64xf32, #tpu.memory_space<hbm>>
      tpu.enqueue_indirect_dma source(%dma_start3A_443 : memref<100000x64xf32, #tpu.memory_space<hbm>>) target(%dma_start3A_437 : memref<128x64xf32, #tpu.memory_space<vmem>>) offsets(%dma_start3A_440 : memref<128xi32, #tpu.memory_space<vmem>>) semaphore(%arg13 : memref<!tpu.dma_semaphore, #tpu.memory_space<semaphore_mem>>)
      %mul3A_444 = arith.constant 5 : i32
      %mul3A_445 = arith.muli %add3A_353, %mul3A_444 : i32
      %add3A_446 = arith.constant 3 : i32
      %add3A_447 = arith.addi %mul3A_445, %add3A_446 : i32
      %dma_start3A_448 = arith.constant 384 : i32
      %dma_start3A_449 = tpu.memref_slice %arg11[%dma_start3A_448] : memref<640xf32, #tpu.memory_space<vmem>> -> memref<128xf32, #tpu.memory_space<vmem>>
      %dma_start3A_450 = arith.constant 0 : i32
      %dma_start3A_451 = tpu.memref_slice %arg7[%add3A_447, %dma_start3A_450] : memref<100x128xi32, #tpu.memory_space<vmem>> -> memref<1x128xi32, #tpu.memory_space<vmem>>
      %dma_start3A_452 = tpu.memref_squeeze %dma_start3A_451 : memref<1x128xi32, #tpu.memory_space<vmem>> -> memref<128xi32, #tpu.memory_space<vmem>>
      %dma_start3A_453 = arith.constant 0 : i32
      %dma_start3A_454 = tpu.memref_slice %arg4[%dma_start3A_453] : memref<100000xf32, #tpu.memory_space<hbm>> -> memref<100000xf32, #tpu.memory_space<hbm>>
      tpu.enqueue_indirect_dma source(%dma_start3A_454 : memref<100000xf32, #tpu.memory_space<hbm>>) target(%dma_start3A_449 : memref<128xf32, #tpu.memory_space<vmem>>) offsets(%dma_start3A_452 : memref<128xi32, #tpu.memory_space<vmem>>) semaphore(%arg13 : memref<!tpu.dma_semaphore, #tpu.memory_space<semaphore_mem>>)
      %mul3A_455 = arith.constant 5 : i32
      %mul3A_456 = arith.muli %add3A_353, %mul3A_455 : i32
      %add3A_457 = arith.constant 4 : i32
      %add3A_458 = arith.addi %mul3A_456, %add3A_457 : i32
      %dma_start3A_459 = arith.constant 512 : i32
      %dma_start3A_460 = arith.constant 0 : i32
      %dma_start3A_461 = tpu.memref_slice %arg9[%dma_start3A_459, %dma_start3A_460] : memref<640x64xf32, #tpu.memory_space<vmem>> -> memref<128x64xf32, #tpu.memory_space<vmem>>
      %dma_start3A_462 = arith.constant 0 : i32
      %dma_start3A_463 = tpu.memref_slice %arg7[%add3A_458, %dma_start3A_462] : memref<100x128xi32, #tpu.memory_space<vmem>> -> memref<1x128xi32, #tpu.memory_space<vmem>>
      %dma_start3A_464 = tpu.memref_squeeze %dma_start3A_463 : memref<1x128xi32, #tpu.memory_space<vmem>> -> memref<128xi32, #tpu.memory_space<vmem>>
      %dma_start3A_465 = arith.constant 0 : i32
      %dma_start3A_466 = arith.constant 0 : i32
      %dma_start3A_467 = tpu.memref_slice %arg3[%dma_start3A_465, %dma_start3A_466] : memref<100000x64xf32, #tpu.memory_space<hbm>> -> memref<100000x64xf32, #tpu.memory_space<hbm>>
      tpu.enqueue_indirect_dma source(%dma_start3A_467 : memref<100000x64xf32, #tpu.memory_space<hbm>>) target(%dma_start3A_461 : memref<128x64xf32, #tpu.memory_space<vmem>>) offsets(%dma_start3A_464 : memref<128xi32, #tpu.memory_space<vmem>>) semaphore(%arg13 : memref<!tpu.dma_semaphore, #tpu.memory_space<semaphore_mem>>)
      %mul3A_468 = arith.constant 5 : i32
      %mul3A_469 = arith.muli %add3A_353, %mul3A_468 : i32
      %add3A_470 = arith.constant 4 : i32
      %add3A_471 = arith.addi %mul3A_469, %add3A_470 : i32
      %dma_start3A_472 = arith.constant 512 : i32
      %dma_start3A_473 = tpu.memref_slice %arg11[%dma_start3A_472] : memref<640xf32, #tpu.memory_space<vmem>> -> memref<128xf32, #tpu.memory_space<vmem>>
      %dma_start3A_474 = arith.constant 0 : i32
      %dma_start3A_475 = tpu.memref_slice %arg7[%add3A_471, %dma_start3A_474] : memref<100x128xi32, #tpu.memory_space<vmem>> -> memref<1x128xi32, #tpu.memory_space<vmem>>
      %dma_start3A_476 = tpu.memref_squeeze %dma_start3A_475 : memref<1x128xi32, #tpu.memory_space<vmem>> -> memref<128xi32, #tpu.memory_space<vmem>>
      %dma_start3A_477 = arith.constant 0 : i32
      %dma_start3A_478 = tpu.memref_slice %arg4[%dma_start3A_477] : memref<100000xf32, #tpu.memory_space<hbm>> -> memref<100000xf32, #tpu.memory_space<hbm>>
      tpu.enqueue_indirect_dma source(%dma_start3A_478 : memref<100000xf32, #tpu.memory_space<hbm>>) target(%dma_start3A_473 : memref<128xf32, #tpu.memory_space<vmem>>) offsets(%dma_start3A_476 : memref<128xi32, #tpu.memory_space<vmem>>) semaphore(%arg13 : memref<!tpu.dma_semaphore, #tpu.memory_space<semaphore_mem>>)
      %ge3A_479 = arith.constant 1 : i32
      %ge3A_480 = arith.cmpi sge, %add3A_353, %ge3A_479 : i32
      %convert_element_type3A_481 = arith.extui %ge3A_480 : i1 to i32
      %cond3A_482 = arith.constant 0 : i32
      %cond3A_483 = arith.cmpi ne, %convert_element_type3A_481, %cond3A_482 : i32
      scf.if %cond3A_483 {
        %sub3A = arith.constant 1 : i32
        %sub3A_484 = arith.subi %add3A_353, %sub3A : i32
        %mul3A_485 = arith.constant 12800 : i32
        %mul3A_486 = arith.muli %add3A, %mul3A_485 : i32
        %mul3A_487 = arith.constant 640 : i32
        %mul3A_488 = arith.muli %sub3A_484, %mul3A_487 : i32
        %add3A_489 = arith.addi %mul3A_486, %mul3A_488 : i32
        %mul3A_490 = arith.constant 5 : i32
        %mul3A_491 = arith.muli %sub3A_484, %mul3A_490 : i32
        %add3A_492 = arith.constant 0 : i32
        %add3A_493 = arith.addi %mul3A_491, %add3A_492 : i32
        %dma_wait3A_494 = arith.constant 0 : i32
        %dma_wait3A_495 = arith.constant 0 : i32
        %dma_wait3A_496 = tpu.memref_slice %arg8[%dma_wait3A_494, %dma_wait3A_495] : memref<640x64xf32, #tpu.memory_space<vmem>> -> memref<128x64xf32, #tpu.memory_space<vmem>>
        %dma_wait3A_497 = arith.constant 0 : i32
        %dma_wait3A_498 = tpu.memref_slice %arg7[%add3A_493, %dma_wait3A_497] : memref<100x128xi32, #tpu.memory_space<vmem>> -> memref<1x128xi32, #tpu.memory_space<vmem>>
        %dma_wait3A_499 = tpu.memref_squeeze %dma_wait3A_498 : memref<1x128xi32, #tpu.memory_space<vmem>> -> memref<128xi32, #tpu.memory_space<vmem>>
        %dma_wait3A_500 = arith.constant 0 : i32
        %dma_wait3A_501 = arith.constant 0 : i32
        %dma_wait3A_502 = tpu.memref_slice %arg3[%dma_wait3A_500, %dma_wait3A_501] : memref<100000x64xf32, #tpu.memory_space<hbm>> -> memref<100000x64xf32, #tpu.memory_space<hbm>>
        tpu.wait_indirect_dma semaphore(%arg12 : memref<!tpu.dma_semaphore, #tpu.memory_space<semaphore_mem>>) src(%dma_wait3A_502 : memref<100000x64xf32, #tpu.memory_space<hbm>>) dst(%dma_wait3A_496 : memref<128x64xf32, #tpu.memory_space<vmem>>)
        %add3A_503 = arith.constant 0 : i32
        %add3A_504 = arith.addi %add3A_489, %add3A_503 : i32
        %dma_start3A_505 = arith.constant 0 : i32
        %dma_start3A_506 = arith.constant 0 : i32
        %dma_start3A_507 = tpu.memref_slice %arg8[%dma_start3A_505, %dma_start3A_506] : memref<640x64xf32, #tpu.memory_space<vmem>> -> memref<128x64xf32, #tpu.memory_space<vmem>>
        %dma_start3A_508 = arith.constant 0 : i32
        %dma_start3A_509 = tpu.memref_slice %arg5[%add3A_504, %dma_start3A_508] : memref<409600x64xf32, #tpu.memory_space<hbm>> -> memref<128x64xf32, #tpu.memory_space<hbm>>
        %dma_start3A_510 = arith.constant 0 : i32
        %dma_start3A_511 = tpu.memref_slice %arg5[%add3A_504, %dma_start3A_510] : memref<409600x64xf32, #tpu.memory_space<hbm>> -> memref<128x64xf32, #tpu.memory_space<hbm>>
        %dma_start3A_512 = arith.constant 0 : i32
        %dma_start3A_513 = arith.constant 0 : i32
        %dma_start3A_514 = tpu.memref_slice %arg8[%dma_start3A_512, %dma_start3A_513] : memref<640x64xf32, #tpu.memory_space<vmem>> -> memref<128x64xf32, #tpu.memory_space<vmem>>
        tpu.enqueue_dma source(%dma_start3A_514 : memref<128x64xf32, #tpu.memory_space<vmem>>) target(%dma_start3A_511 : memref<128x64xf32, #tpu.memory_space<hbm>>) target_semaphore(%arg14 : memref<!tpu.dma_semaphore, #tpu.memory_space<semaphore_mem>>)
        %mul3A_515 = arith.constant 5 : i32
        %mul3A_516 = arith.muli %sub3A_484, %mul3A_515 : i32
        %add3A_517 = arith.constant 0 : i32
        %add3A_518 = arith.addi %mul3A_516, %add3A_517 : i32
        %dma_wait3A_519 = arith.constant 0 : i32
        %dma_wait3A_520 = tpu.memref_slice %arg10[%dma_wait3A_519] : memref<640xf32, #tpu.memory_space<vmem>> -> memref<128xf32, #tpu.memory_space<vmem>>
        %dma_wait3A_521 = arith.constant 0 : i32
        %dma_wait3A_522 = tpu.memref_slice %arg7[%add3A_518, %dma_wait3A_521] : memref<100x128xi32, #tpu.memory_space<vmem>> -> memref<1x128xi32, #tpu.memory_space<vmem>>
        %dma_wait3A_523 = tpu.memref_squeeze %dma_wait3A_522 : memref<1x128xi32, #tpu.memory_space<vmem>> -> memref<128xi32, #tpu.memory_space<vmem>>
        %dma_wait3A_524 = arith.constant 0 : i32
        %dma_wait3A_525 = tpu.memref_slice %arg4[%dma_wait3A_524] : memref<100000xf32, #tpu.memory_space<hbm>> -> memref<100000xf32, #tpu.memory_space<hbm>>
        tpu.wait_indirect_dma semaphore(%arg12 : memref<!tpu.dma_semaphore, #tpu.memory_space<semaphore_mem>>) src(%dma_wait3A_525 : memref<100000xf32, #tpu.memory_space<hbm>>) dst(%dma_wait3A_520 : memref<128xf32, #tpu.memory_space<vmem>>)
        %add3A_526 = arith.constant 0 : i32
        %add3A_527 = arith.addi %add3A_489, %add3A_526 : i32
        %dma_start3A_528 = arith.constant 0 : i32
        %dma_start3A_529 = tpu.memref_slice %arg10[%dma_start3A_528] : memref<640xf32, #tpu.memory_space<vmem>> -> memref<128xf32, #tpu.memory_space<vmem>>
        %dma_start3A_530 = tpu.memref_slice %arg6[%add3A_527] : memref<409600xf32, #tpu.memory_space<hbm>> -> memref<128xf32, #tpu.memory_space<hbm>>
        %dma_start3A_531 = tpu.memref_slice %arg6[%add3A_527] : memref<409600xf32, #tpu.memory_space<hbm>> -> memref<128xf32, #tpu.memory_space<hbm>>
        %dma_start3A_532 = arith.constant 0 : i32
        %dma_start3A_533 = tpu.memref_slice %arg10[%dma_start3A_532] : memref<640xf32, #tpu.memory_space<vmem>> -> memref<128xf32, #tpu.memory_space<vmem>>
        tpu.enqueue_dma source(%dma_start3A_533 : memref<128xf32, #tpu.memory_space<vmem>>) target(%dma_start3A_531 : memref<128xf32, #tpu.memory_space<hbm>>) target_semaphore(%arg14 : memref<!tpu.dma_semaphore, #tpu.memory_space<semaphore_mem>>)
        %mul3A_534 = arith.constant 5 : i32
        %mul3A_535 = arith.muli %sub3A_484, %mul3A_534 : i32
        %add3A_536 = arith.constant 1 : i32
        %add3A_537 = arith.addi %mul3A_535, %add3A_536 : i32
        %dma_wait3A_538 = arith.constant 128 : i32
        %dma_wait3A_539 = arith.constant 0 : i32
        %dma_wait3A_540 = tpu.memref_slice %arg8[%dma_wait3A_538, %dma_wait3A_539] : memref<640x64xf32, #tpu.memory_space<vmem>> -> memref<128x64xf32, #tpu.memory_space<vmem>>
        %dma_wait3A_541 = arith.constant 0 : i32
        %dma_wait3A_542 = tpu.memref_slice %arg7[%add3A_537, %dma_wait3A_541] : memref<100x128xi32, #tpu.memory_space<vmem>> -> memref<1x128xi32, #tpu.memory_space<vmem>>
        %dma_wait3A_543 = tpu.memref_squeeze %dma_wait3A_542 : memref<1x128xi32, #tpu.memory_space<vmem>> -> memref<128xi32, #tpu.memory_space<vmem>>
        %dma_wait3A_544 = arith.constant 0 : i32
        %dma_wait3A_545 = arith.constant 0 : i32
        %dma_wait3A_546 = tpu.memref_slice %arg3[%dma_wait3A_544, %dma_wait3A_545] : memref<100000x64xf32, #tpu.memory_space<hbm>> -> memref<100000x64xf32, #tpu.memory_space<hbm>>
        tpu.wait_indirect_dma semaphore(%arg12 : memref<!tpu.dma_semaphore, #tpu.memory_space<semaphore_mem>>) src(%dma_wait3A_546 : memref<100000x64xf32, #tpu.memory_space<hbm>>) dst(%dma_wait3A_540 : memref<128x64xf32, #tpu.memory_space<vmem>>)
        %add3A_547 = arith.constant 128 : i32
        %add3A_548 = arith.addi %add3A_489, %add3A_547 : i32
        %dma_start3A_549 = arith.constant 128 : i32
        %dma_start3A_550 = arith.constant 0 : i32
        %dma_start3A_551 = tpu.memref_slice %arg8[%dma_start3A_549, %dma_start3A_550] : memref<640x64xf32, #tpu.memory_space<vmem>> -> memref<128x64xf32, #tpu.memory_space<vmem>>
        %dma_start3A_552 = arith.constant 0 : i32
        %dma_start3A_553 = tpu.memref_slice %arg5[%add3A_548, %dma_start3A_552] : memref<409600x64xf32, #tpu.memory_space<hbm>> -> memref<128x64xf32, #tpu.memory_space<hbm>>
        %dma_start3A_554 = arith.constant 0 : i32
        %dma_start3A_555 = tpu.memref_slice %arg5[%add3A_548, %dma_start3A_554] : memref<409600x64xf32, #tpu.memory_space<hbm>> -> memref<128x64xf32, #tpu.memory_space<hbm>>
        %dma_start3A_556 = arith.constant 128 : i32
        %dma_start3A_557 = arith.constant 0 : i32
        %dma_start3A_558 = tpu.memref_slice %arg8[%dma_start3A_556, %dma_start3A_557] : memref<640x64xf32, #tpu.memory_space<vmem>> -> memref<128x64xf32, #tpu.memory_space<vmem>>
        tpu.enqueue_dma source(%dma_start3A_558 : memref<128x64xf32, #tpu.memory_space<vmem>>) target(%dma_start3A_555 : memref<128x64xf32, #tpu.memory_space<hbm>>) target_semaphore(%arg14 : memref<!tpu.dma_semaphore, #tpu.memory_space<semaphore_mem>>)
        %mul3A_559 = arith.constant 5 : i32
        %mul3A_560 = arith.muli %sub3A_484, %mul3A_559 : i32
        %add3A_561 = arith.constant 1 : i32
        %add3A_562 = arith.addi %mul3A_560, %add3A_561 : i32
        %dma_wait3A_563 = arith.constant 128 : i32
        %dma_wait3A_564 = tpu.memref_slice %arg10[%dma_wait3A_563] : memref<640xf32, #tpu.memory_space<vmem>> -> memref<128xf32, #tpu.memory_space<vmem>>
        %dma_wait3A_565 = arith.constant 0 : i32
        %dma_wait3A_566 = tpu.memref_slice %arg7[%add3A_562, %dma_wait3A_565] : memref<100x128xi32, #tpu.memory_space<vmem>> -> memref<1x128xi32, #tpu.memory_space<vmem>>
        %dma_wait3A_567 = tpu.memref_squeeze %dma_wait3A_566 : memref<1x128xi32, #tpu.memory_space<vmem>> -> memref<128xi32, #tpu.memory_space<vmem>>
        %dma_wait3A_568 = arith.constant 0 : i32
        %dma_wait3A_569 = tpu.memref_slice %arg4[%dma_wait3A_568] : memref<100000xf32, #tpu.memory_space<hbm>> -> memref<100000xf32, #tpu.memory_space<hbm>>
        tpu.wait_indirect_dma semaphore(%arg12 : memref<!tpu.dma_semaphore, #tpu.memory_space<semaphore_mem>>) src(%dma_wait3A_569 : memref<100000xf32, #tpu.memory_space<hbm>>) dst(%dma_wait3A_564 : memref<128xf32, #tpu.memory_space<vmem>>)
        %add3A_570 = arith.constant 128 : i32
        %add3A_571 = arith.addi %add3A_489, %add3A_570 : i32
        %dma_start3A_572 = arith.constant 128 : i32
        %dma_start3A_573 = tpu.memref_slice %arg10[%dma_start3A_572] : memref<640xf32, #tpu.memory_space<vmem>> -> memref<128xf32, #tpu.memory_space<vmem>>
        %dma_start3A_574 = tpu.memref_slice %arg6[%add3A_571] : memref<409600xf32, #tpu.memory_space<hbm>> -> memref<128xf32, #tpu.memory_space<hbm>>
        %dma_start3A_575 = tpu.memref_slice %arg6[%add3A_571] : memref<409600xf32, #tpu.memory_space<hbm>> -> memref<128xf32, #tpu.memory_space<hbm>>
        %dma_start3A_576 = arith.constant 128 : i32
        %dma_start3A_577 = tpu.memref_slice %arg10[%dma_start3A_576] : memref<640xf32, #tpu.memory_space<vmem>> -> memref<128xf32, #tpu.memory_space<vmem>>
        tpu.enqueue_dma source(%dma_start3A_577 : memref<128xf32, #tpu.memory_space<vmem>>) target(%dma_start3A_575 : memref<128xf32, #tpu.memory_space<hbm>>) target_semaphore(%arg14 : memref<!tpu.dma_semaphore, #tpu.memory_space<semaphore_mem>>)
        %mul3A_578 = arith.constant 5 : i32
        %mul3A_579 = arith.muli %sub3A_484, %mul3A_578 : i32
        %add3A_580 = arith.constant 2 : i32
        %add3A_581 = arith.addi %mul3A_579, %add3A_580 : i32
        %dma_wait3A_582 = arith.constant 256 : i32
        %dma_wait3A_583 = arith.constant 0 : i32
        %dma_wait3A_584 = tpu.memref_slice %arg8[%dma_wait3A_582, %dma_wait3A_583] : memref<640x64xf32, #tpu.memory_space<vmem>> -> memref<128x64xf32, #tpu.memory_space<vmem>>
        %dma_wait3A_585 = arith.constant 0 : i32
        %dma_wait3A_586 = tpu.memref_slice %arg7[%add3A_581, %dma_wait3A_585] : memref<100x128xi32, #tpu.memory_space<vmem>> -> memref<1x128xi32, #tpu.memory_space<vmem>>
        %dma_wait3A_587 = tpu.memref_squeeze %dma_wait3A_586 : memref<1x128xi32, #tpu.memory_space<vmem>> -> memref<128xi32, #tpu.memory_space<vmem>>
        %dma_wait3A_588 = arith.constant 0 : i32
        %dma_wait3A_589 = arith.constant 0 : i32
        %dma_wait3A_590 = tpu.memref_slice %arg3[%dma_wait3A_588, %dma_wait3A_589] : memref<100000x64xf32, #tpu.memory_space<hbm>> -> memref<100000x64xf32, #tpu.memory_space<hbm>>
        tpu.wait_indirect_dma semaphore(%arg12 : memref<!tpu.dma_semaphore, #tpu.memory_space<semaphore_mem>>) src(%dma_wait3A_590 : memref<100000x64xf32, #tpu.memory_space<hbm>>) dst(%dma_wait3A_584 : memref<128x64xf32, #tpu.memory_space<vmem>>)
        %add3A_591 = arith.constant 256 : i32
        %add3A_592 = arith.addi %add3A_489, %add3A_591 : i32
        %dma_start3A_593 = arith.constant 256 : i32
        %dma_start3A_594 = arith.constant 0 : i32
        %dma_start3A_595 = tpu.memref_slice %arg8[%dma_start3A_593, %dma_start3A_594] : memref<640x64xf32, #tpu.memory_space<vmem>> -> memref<128x64xf32, #tpu.memory_space<vmem>>
        %dma_start3A_596 = arith.constant 0 : i32
        %dma_start3A_597 = tpu.memref_slice %arg5[%add3A_592, %dma_start3A_596] : memref<409600x64xf32, #tpu.memory_space<hbm>> -> memref<128x64xf32, #tpu.memory_space<hbm>>
        %dma_start3A_598 = arith.constant 0 : i32
        %dma_start3A_599 = tpu.memref_slice %arg5[%add3A_592, %dma_start3A_598] : memref<409600x64xf32, #tpu.memory_space<hbm>> -> memref<128x64xf32, #tpu.memory_space<hbm>>
        %dma_start3A_600 = arith.constant 256 : i32
        %dma_start3A_601 = arith.constant 0 : i32
        %dma_start3A_602 = tpu.memref_slice %arg8[%dma_start3A_600, %dma_start3A_601] : memref<640x64xf32, #tpu.memory_space<vmem>> -> memref<128x64xf32, #tpu.memory_space<vmem>>
        tpu.enqueue_dma source(%dma_start3A_602 : memref<128x64xf32, #tpu.memory_space<vmem>>) target(%dma_start3A_599 : memref<128x64xf32, #tpu.memory_space<hbm>>) target_semaphore(%arg14 : memref<!tpu.dma_semaphore, #tpu.memory_space<semaphore_mem>>)
        %mul3A_603 = arith.constant 5 : i32
        %mul3A_604 = arith.muli %sub3A_484, %mul3A_603 : i32
        %add3A_605 = arith.constant 2 : i32
        %add3A_606 = arith.addi %mul3A_604, %add3A_605 : i32
        %dma_wait3A_607 = arith.constant 256 : i32
        %dma_wait3A_608 = tpu.memref_slice %arg10[%dma_wait3A_607] : memref<640xf32, #tpu.memory_space<vmem>> -> memref<128xf32, #tpu.memory_space<vmem>>
        %dma_wait3A_609 = arith.constant 0 : i32
        %dma_wait3A_610 = tpu.memref_slice %arg7[%add3A_606, %dma_wait3A_609] : memref<100x128xi32, #tpu.memory_space<vmem>> -> memref<1x128xi32, #tpu.memory_space<vmem>>
        %dma_wait3A_611 = tpu.memref_squeeze %dma_wait3A_610 : memref<1x128xi32, #tpu.memory_space<vmem>> -> memref<128xi32, #tpu.memory_space<vmem>>
        %dma_wait3A_612 = arith.constant 0 : i32
        %dma_wait3A_613 = tpu.memref_slice %arg4[%dma_wait3A_612] : memref<100000xf32, #tpu.memory_space<hbm>> -> memref<100000xf32, #tpu.memory_space<hbm>>
        tpu.wait_indirect_dma semaphore(%arg12 : memref<!tpu.dma_semaphore, #tpu.memory_space<semaphore_mem>>) src(%dma_wait3A_613 : memref<100000xf32, #tpu.memory_space<hbm>>) dst(%dma_wait3A_608 : memref<128xf32, #tpu.memory_space<vmem>>)
        %add3A_614 = arith.constant 256 : i32
        %add3A_615 = arith.addi %add3A_489, %add3A_614 : i32
        %dma_start3A_616 = arith.constant 256 : i32
        %dma_start3A_617 = tpu.memref_slice %arg10[%dma_start3A_616] : memref<640xf32, #tpu.memory_space<vmem>> -> memref<128xf32, #tpu.memory_space<vmem>>
        %dma_start3A_618 = tpu.memref_slice %arg6[%add3A_615] : memref<409600xf32, #tpu.memory_space<hbm>> -> memref<128xf32, #tpu.memory_space<hbm>>
        %dma_start3A_619 = tpu.memref_slice %arg6[%add3A_615] : memref<409600xf32, #tpu.memory_space<hbm>> -> memref<128xf32, #tpu.memory_space<hbm>>
        %dma_start3A_620 = arith.constant 256 : i32
        %dma_start3A_621 = tpu.memref_slice %arg10[%dma_start3A_620] : memref<640xf32, #tpu.memory_space<vmem>> -> memref<128xf32, #tpu.memory_space<vmem>>
        tpu.enqueue_dma source(%dma_start3A_621 : memref<128xf32, #tpu.memory_space<vmem>>) target(%dma_start3A_619 : memref<128xf32, #tpu.memory_space<hbm>>) target_semaphore(%arg14 : memref<!tpu.dma_semaphore, #tpu.memory_space<semaphore_mem>>)
        %mul3A_622 = arith.constant 5 : i32
        %mul3A_623 = arith.muli %sub3A_484, %mul3A_622 : i32
        %add3A_624 = arith.constant 3 : i32
        %add3A_625 = arith.addi %mul3A_623, %add3A_624 : i32
        %dma_wait3A_626 = arith.constant 384 : i32
        %dma_wait3A_627 = arith.constant 0 : i32
        %dma_wait3A_628 = tpu.memref_slice %arg8[%dma_wait3A_626, %dma_wait3A_627] : memref<640x64xf32, #tpu.memory_space<vmem>> -> memref<128x64xf32, #tpu.memory_space<vmem>>
        %dma_wait3A_629 = arith.constant 0 : i32
        %dma_wait3A_630 = tpu.memref_slice %arg7[%add3A_625, %dma_wait3A_629] : memref<100x128xi32, #tpu.memory_space<vmem>> -> memref<1x128xi32, #tpu.memory_space<vmem>>
        %dma_wait3A_631 = tpu.memref_squeeze %dma_wait3A_630 : memref<1x128xi32, #tpu.memory_space<vmem>> -> memref<128xi32, #tpu.memory_space<vmem>>
        %dma_wait3A_632 = arith.constant 0 : i32
        %dma_wait3A_633 = arith.constant 0 : i32
        %dma_wait3A_634 = tpu.memref_slice %arg3[%dma_wait3A_632, %dma_wait3A_633] : memref<100000x64xf32, #tpu.memory_space<hbm>> -> memref<100000x64xf32, #tpu.memory_space<hbm>>
        tpu.wait_indirect_dma semaphore(%arg12 : memref<!tpu.dma_semaphore, #tpu.memory_space<semaphore_mem>>) src(%dma_wait3A_634 : memref<100000x64xf32, #tpu.memory_space<hbm>>) dst(%dma_wait3A_628 : memref<128x64xf32, #tpu.memory_space<vmem>>)
        %add3A_635 = arith.constant 384 : i32
        %add3A_636 = arith.addi %add3A_489, %add3A_635 : i32
        %dma_start3A_637 = arith.constant 384 : i32
        %dma_start3A_638 = arith.constant 0 : i32
        %dma_start3A_639 = tpu.memref_slice %arg8[%dma_start3A_637, %dma_start3A_638] : memref<640x64xf32, #tpu.memory_space<vmem>> -> memref<128x64xf32, #tpu.memory_space<vmem>>
        %dma_start3A_640 = arith.constant 0 : i32
        %dma_start3A_641 = tpu.memref_slice %arg5[%add3A_636, %dma_start3A_640] : memref<409600x64xf32, #tpu.memory_space<hbm>> -> memref<128x64xf32, #tpu.memory_space<hbm>>
        %dma_start3A_642 = arith.constant 0 : i32
        %dma_start3A_643 = tpu.memref_slice %arg5[%add3A_636, %dma_start3A_642] : memref<409600x64xf32, #tpu.memory_space<hbm>> -> memref<128x64xf32, #tpu.memory_space<hbm>>
        %dma_start3A_644 = arith.constant 384 : i32
        %dma_start3A_645 = arith.constant 0 : i32
        %dma_start3A_646 = tpu.memref_slice %arg8[%dma_start3A_644, %dma_start3A_645] : memref<640x64xf32, #tpu.memory_space<vmem>> -> memref<128x64xf32, #tpu.memory_space<vmem>>
        tpu.enqueue_dma source(%dma_start3A_646 : memref<128x64xf32, #tpu.memory_space<vmem>>) target(%dma_start3A_643 : memref<128x64xf32, #tpu.memory_space<hbm>>) target_semaphore(%arg14 : memref<!tpu.dma_semaphore, #tpu.memory_space<semaphore_mem>>)
        %mul3A_647 = arith.constant 5 : i32
        %mul3A_648 = arith.muli %sub3A_484, %mul3A_647 : i32
        %add3A_649 = arith.constant 3 : i32
        %add3A_650 = arith.addi %mul3A_648, %add3A_649 : i32
        %dma_wait3A_651 = arith.constant 384 : i32
        %dma_wait3A_652 = tpu.memref_slice %arg10[%dma_wait3A_651] : memref<640xf32, #tpu.memory_space<vmem>> -> memref<128xf32, #tpu.memory_space<vmem>>
        %dma_wait3A_653 = arith.constant 0 : i32
        %dma_wait3A_654 = tpu.memref_slice %arg7[%add3A_650, %dma_wait3A_653] : memref<100x128xi32, #tpu.memory_space<vmem>> -> memref<1x128xi32, #tpu.memory_space<vmem>>
        %dma_wait3A_655 = tpu.memref_squeeze %dma_wait3A_654 : memref<1x128xi32, #tpu.memory_space<vmem>> -> memref<128xi32, #tpu.memory_space<vmem>>
        %dma_wait3A_656 = arith.constant 0 : i32
        %dma_wait3A_657 = tpu.memref_slice %arg4[%dma_wait3A_656] : memref<100000xf32, #tpu.memory_space<hbm>> -> memref<100000xf32, #tpu.memory_space<hbm>>
        tpu.wait_indirect_dma semaphore(%arg12 : memref<!tpu.dma_semaphore, #tpu.memory_space<semaphore_mem>>) src(%dma_wait3A_657 : memref<100000xf32, #tpu.memory_space<hbm>>) dst(%dma_wait3A_652 : memref<128xf32, #tpu.memory_space<vmem>>)
        %add3A_658 = arith.constant 384 : i32
        %add3A_659 = arith.addi %add3A_489, %add3A_658 : i32
        %dma_start3A_660 = arith.constant 384 : i32
        %dma_start3A_661 = tpu.memref_slice %arg10[%dma_start3A_660] : memref<640xf32, #tpu.memory_space<vmem>> -> memref<128xf32, #tpu.memory_space<vmem>>
        %dma_start3A_662 = tpu.memref_slice %arg6[%add3A_659] : memref<409600xf32, #tpu.memory_space<hbm>> -> memref<128xf32, #tpu.memory_space<hbm>>
        %dma_start3A_663 = tpu.memref_slice %arg6[%add3A_659] : memref<409600xf32, #tpu.memory_space<hbm>> -> memref<128xf32, #tpu.memory_space<hbm>>
        %dma_start3A_664 = arith.constant 384 : i32
        %dma_start3A_665 = tpu.memref_slice %arg10[%dma_start3A_664] : memref<640xf32, #tpu.memory_space<vmem>> -> memref<128xf32, #tpu.memory_space<vmem>>
        tpu.enqueue_dma source(%dma_start3A_665 : memref<128xf32, #tpu.memory_space<vmem>>) target(%dma_start3A_663 : memref<128xf32, #tpu.memory_space<hbm>>) target_semaphore(%arg14 : memref<!tpu.dma_semaphore, #tpu.memory_space<semaphore_mem>>)
        %mul3A_666 = arith.constant 5 : i32
        %mul3A_667 = arith.muli %sub3A_484, %mul3A_666 : i32
        %add3A_668 = arith.constant 4 : i32
        %add3A_669 = arith.addi %mul3A_667, %add3A_668 : i32
        %dma_wait3A_670 = arith.constant 512 : i32
        %dma_wait3A_671 = arith.constant 0 : i32
        %dma_wait3A_672 = tpu.memref_slice %arg8[%dma_wait3A_670, %dma_wait3A_671] : memref<640x64xf32, #tpu.memory_space<vmem>> -> memref<128x64xf32, #tpu.memory_space<vmem>>
        %dma_wait3A_673 = arith.constant 0 : i32
        %dma_wait3A_674 = tpu.memref_slice %arg7[%add3A_669, %dma_wait3A_673] : memref<100x128xi32, #tpu.memory_space<vmem>> -> memref<1x128xi32, #tpu.memory_space<vmem>>
        %dma_wait3A_675 = tpu.memref_squeeze %dma_wait3A_674 : memref<1x128xi32, #tpu.memory_space<vmem>> -> memref<128xi32, #tpu.memory_space<vmem>>
        %dma_wait3A_676 = arith.constant 0 : i32
        %dma_wait3A_677 = arith.constant 0 : i32
        %dma_wait3A_678 = tpu.memref_slice %arg3[%dma_wait3A_676, %dma_wait3A_677] : memref<100000x64xf32, #tpu.memory_space<hbm>> -> memref<100000x64xf32, #tpu.memory_space<hbm>>
        tpu.wait_indirect_dma semaphore(%arg12 : memref<!tpu.dma_semaphore, #tpu.memory_space<semaphore_mem>>) src(%dma_wait3A_678 : memref<100000x64xf32, #tpu.memory_space<hbm>>) dst(%dma_wait3A_672 : memref<128x64xf32, #tpu.memory_space<vmem>>)
        %add3A_679 = arith.constant 512 : i32
        %add3A_680 = arith.addi %add3A_489, %add3A_679 : i32
        %dma_start3A_681 = arith.constant 512 : i32
        %dma_start3A_682 = arith.constant 0 : i32
        %dma_start3A_683 = tpu.memref_slice %arg8[%dma_start3A_681, %dma_start3A_682] : memref<640x64xf32, #tpu.memory_space<vmem>> -> memref<128x64xf32, #tpu.memory_space<vmem>>
        %dma_start3A_684 = arith.constant 0 : i32
        %dma_start3A_685 = tpu.memref_slice %arg5[%add3A_680, %dma_start3A_684] : memref<409600x64xf32, #tpu.memory_space<hbm>> -> memref<128x64xf32, #tpu.memory_space<hbm>>
        %dma_start3A_686 = arith.constant 0 : i32
        %dma_start3A_687 = tpu.memref_slice %arg5[%add3A_680, %dma_start3A_686] : memref<409600x64xf32, #tpu.memory_space<hbm>> -> memref<128x64xf32, #tpu.memory_space<hbm>>
        %dma_start3A_688 = arith.constant 512 : i32
        %dma_start3A_689 = arith.constant 0 : i32
        %dma_start3A_690 = tpu.memref_slice %arg8[%dma_start3A_688, %dma_start3A_689] : memref<640x64xf32, #tpu.memory_space<vmem>> -> memref<128x64xf32, #tpu.memory_space<vmem>>
        tpu.enqueue_dma source(%dma_start3A_690 : memref<128x64xf32, #tpu.memory_space<vmem>>) target(%dma_start3A_687 : memref<128x64xf32, #tpu.memory_space<hbm>>) target_semaphore(%arg14 : memref<!tpu.dma_semaphore, #tpu.memory_space<semaphore_mem>>)
        %mul3A_691 = arith.constant 5 : i32
        %mul3A_692 = arith.muli %sub3A_484, %mul3A_691 : i32
        %add3A_693 = arith.constant 4 : i32
        %add3A_694 = arith.addi %mul3A_692, %add3A_693 : i32
        %dma_wait3A_695 = arith.constant 512 : i32
        %dma_wait3A_696 = tpu.memref_slice %arg10[%dma_wait3A_695] : memref<640xf32, #tpu.memory_space<vmem>> -> memref<128xf32, #tpu.memory_space<vmem>>
        %dma_wait3A_697 = arith.constant 0 : i32
        %dma_wait3A_698 = tpu.memref_slice %arg7[%add3A_694, %dma_wait3A_697] : memref<100x128xi32, #tpu.memory_space<vmem>> -> memref<1x128xi32, #tpu.memory_space<vmem>>
        %dma_wait3A_699 = tpu.memref_squeeze %dma_wait3A_698 : memref<1x128xi32, #tpu.memory_space<vmem>> -> memref<128xi32, #tpu.memory_space<vmem>>
        %dma_wait3A_700 = arith.constant 0 : i32
        %dma_wait3A_701 = tpu.memref_slice %arg4[%dma_wait3A_700] : memref<100000xf32, #tpu.memory_space<hbm>> -> memref<100000xf32, #tpu.memory_space<hbm>>
        tpu.wait_indirect_dma semaphore(%arg12 : memref<!tpu.dma_semaphore, #tpu.memory_space<semaphore_mem>>) src(%dma_wait3A_701 : memref<100000xf32, #tpu.memory_space<hbm>>) dst(%dma_wait3A_696 : memref<128xf32, #tpu.memory_space<vmem>>)
        %add3A_702 = arith.constant 512 : i32
        %add3A_703 = arith.addi %add3A_489, %add3A_702 : i32
        %dma_start3A_704 = arith.constant 512 : i32
        %dma_start3A_705 = tpu.memref_slice %arg10[%dma_start3A_704] : memref<640xf32, #tpu.memory_space<vmem>> -> memref<128xf32, #tpu.memory_space<vmem>>
        %dma_start3A_706 = tpu.memref_slice %arg6[%add3A_703] : memref<409600xf32, #tpu.memory_space<hbm>> -> memref<128xf32, #tpu.memory_space<hbm>>
        %dma_start3A_707 = tpu.memref_slice %arg6[%add3A_703] : memref<409600xf32, #tpu.memory_space<hbm>> -> memref<128xf32, #tpu.memory_space<hbm>>
        %dma_start3A_708 = arith.constant 512 : i32
        %dma_start3A_709 = tpu.memref_slice %arg10[%dma_start3A_708] : memref<640xf32, #tpu.memory_space<vmem>> -> memref<128xf32, #tpu.memory_space<vmem>>
        tpu.enqueue_dma source(%dma_start3A_709 : memref<128xf32, #tpu.memory_space<vmem>>) target(%dma_start3A_707 : memref<128xf32, #tpu.memory_space<hbm>>) target_semaphore(%arg14 : memref<!tpu.dma_semaphore, #tpu.memory_space<semaphore_mem>>)
      } else {
      }
    }
    %scan3A_5 = arith.constant 10 : i32
    %mul3A_6 = arith.constant 12800 : i32
    %mul3A_7 = arith.muli %add3A, %mul3A_6 : i32
    %add3A_8 = arith.constant 12160 : i32
    %add3A_9 = arith.addi %mul3A_7, %add3A_8 : i32
    %dma_wait3A = arith.constant 95 : i32
    %dma_wait3A_10 = arith.constant 0 : i32
    %dma_wait3A_11 = arith.constant 0 : i32
    %dma_wait3A_12 = tpu.memref_slice %arg9[%dma_wait3A_10, %dma_wait3A_11] : memref<640x64xf32, #tpu.memory_space<vmem>> -> memref<128x64xf32, #tpu.memory_space<vmem>>
    %dma_wait3A_13 = arith.constant 0 : i32
    %dma_wait3A_14 = tpu.memref_slice %arg7[%dma_wait3A, %dma_wait3A_13] : memref<100x128xi32, #tpu.memory_space<vmem>> -> memref<1x128xi32, #tpu.memory_space<vmem>>
    %dma_wait3A_15 = tpu.memref_squeeze %dma_wait3A_14 : memref<1x128xi32, #tpu.memory_space<vmem>> -> memref<128xi32, #tpu.memory_space<vmem>>
    %dma_wait3A_16 = arith.constant 0 : i32
    %dma_wait3A_17 = arith.constant 0 : i32
    %dma_wait3A_18 = tpu.memref_slice %arg3[%dma_wait3A_16, %dma_wait3A_17] : memref<100000x64xf32, #tpu.memory_space<hbm>> -> memref<100000x64xf32, #tpu.memory_space<hbm>>
    tpu.wait_indirect_dma semaphore(%arg13 : memref<!tpu.dma_semaphore, #tpu.memory_space<semaphore_mem>>) src(%dma_wait3A_18 : memref<100000x64xf32, #tpu.memory_space<hbm>>) dst(%dma_wait3A_12 : memref<128x64xf32, #tpu.memory_space<vmem>>)
    %add3A_19 = arith.constant 0 : i32
    %add3A_20 = arith.addi %add3A_9, %add3A_19 : i32
    %dma_start3A = arith.constant 0 : i32
    %dma_start3A_21 = arith.constant 0 : i32
    %dma_start3A_22 = tpu.memref_slice %arg9[%dma_start3A, %dma_start3A_21] : memref<640x64xf32, #tpu.memory_space<vmem>> -> memref<128x64xf32, #tpu.memory_space<vmem>>
    %dma_start3A_23 = arith.constant 0 : i32
    %dma_start3A_24 = tpu.memref_slice %arg5[%add3A_20, %dma_start3A_23] : memref<409600x64xf32, #tpu.memory_space<hbm>> -> memref<128x64xf32, #tpu.memory_space<hbm>>
    %dma_start3A_25 = arith.constant 0 : i32
    %dma_start3A_26 = tpu.memref_slice %arg5[%add3A_20, %dma_start3A_25] : memref<409600x64xf32, #tpu.memory_space<hbm>> -> memref<128x64xf32, #tpu.memory_space<hbm>>
    %dma_start3A_27 = arith.constant 0 : i32
    %dma_start3A_28 = arith.constant 0 : i32
    %dma_start3A_29 = tpu.memref_slice %arg9[%dma_start3A_27, %dma_start3A_28] : memref<640x64xf32, #tpu.memory_space<vmem>> -> memref<128x64xf32, #tpu.memory_space<vmem>>
    tpu.enqueue_dma source(%dma_start3A_29 : memref<128x64xf32, #tpu.memory_space<vmem>>) target(%dma_start3A_26 : memref<128x64xf32, #tpu.memory_space<hbm>>) target_semaphore(%arg15 : memref<!tpu.dma_semaphore, #tpu.memory_space<semaphore_mem>>)
    %dma_wait3A_30 = arith.constant 95 : i32
    %dma_wait3A_31 = arith.constant 0 : i32
    %dma_wait3A_32 = tpu.memref_slice %arg11[%dma_wait3A_31] : memref<640xf32, #tpu.memory_space<vmem>> -> memref<128xf32, #tpu.memory_space<vmem>>
    %dma_wait3A_33 = arith.constant 0 : i32
    %dma_wait3A_34 = tpu.memref_slice %arg7[%dma_wait3A_30, %dma_wait3A_33] : memref<100x128xi32, #tpu.memory_space<vmem>> -> memref<1x128xi32, #tpu.memory_space<vmem>>
    %dma_wait3A_35 = tpu.memref_squeeze %dma_wait3A_34 : memref<1x128xi32, #tpu.memory_space<vmem>> -> memref<128xi32, #tpu.memory_space<vmem>>
    %dma_wait3A_36 = arith.constant 0 : i32
    %dma_wait3A_37 = tpu.memref_slice %arg4[%dma_wait3A_36] : memref<100000xf32, #tpu.memory_space<hbm>> -> memref<100000xf32, #tpu.memory_space<hbm>>
    tpu.wait_indirect_dma semaphore(%arg13 : memref<!tpu.dma_semaphore, #tpu.memory_space<semaphore_mem>>) src(%dma_wait3A_37 : memref<100000xf32, #tpu.memory_space<hbm>>) dst(%dma_wait3A_32 : memref<128xf32, #tpu.memory_space<vmem>>)
    %add3A_38 = arith.constant 0 : i32
    %add3A_39 = arith.addi %add3A_9, %add3A_38 : i32
    %dma_start3A_40 = arith.constant 0 : i32
    %dma_start3A_41 = tpu.memref_slice %arg11[%dma_start3A_40] : memref<640xf32, #tpu.memory_space<vmem>> -> memref<128xf32, #tpu.memory_space<vmem>>
    %dma_start3A_42 = tpu.memref_slice %arg6[%add3A_39] : memref<409600xf32, #tpu.memory_space<hbm>> -> memref<128xf32, #tpu.memory_space<hbm>>
    %dma_start3A_43 = tpu.memref_slice %arg6[%add3A_39] : memref<409600xf32, #tpu.memory_space<hbm>> -> memref<128xf32, #tpu.memory_space<hbm>>
    %dma_start3A_44 = arith.constant 0 : i32
    %dma_start3A_45 = tpu.memref_slice %arg11[%dma_start3A_44] : memref<640xf32, #tpu.memory_space<vmem>> -> memref<128xf32, #tpu.memory_space<vmem>>
    tpu.enqueue_dma source(%dma_start3A_45 : memref<128xf32, #tpu.memory_space<vmem>>) target(%dma_start3A_43 : memref<128xf32, #tpu.memory_space<hbm>>) target_semaphore(%arg15 : memref<!tpu.dma_semaphore, #tpu.memory_space<semaphore_mem>>)
    %dma_wait3A_46 = arith.constant 96 : i32
    %dma_wait3A_47 = arith.constant 128 : i32
    %dma_wait3A_48 = arith.constant 0 : i32
    %dma_wait3A_49 = tpu.memref_slice %arg9[%dma_wait3A_47, %dma_wait3A_48] : memref<640x64xf32, #tpu.memory_space<vmem>> -> memref<128x64xf32, #tpu.memory_space<vmem>>
    %dma_wait3A_50 = arith.constant 0 : i32
    %dma_wait3A_51 = tpu.memref_slice %arg7[%dma_wait3A_46, %dma_wait3A_50] : memref<100x128xi32, #tpu.memory_space<vmem>> -> memref<1x128xi32, #tpu.memory_space<vmem>>
    %dma_wait3A_52 = tpu.memref_squeeze %dma_wait3A_51 : memref<1x128xi32, #tpu.memory_space<vmem>> -> memref<128xi32, #tpu.memory_space<vmem>>
    %dma_wait3A_53 = arith.constant 0 : i32
    %dma_wait3A_54 = arith.constant 0 : i32
    %dma_wait3A_55 = tpu.memref_slice %arg3[%dma_wait3A_53, %dma_wait3A_54] : memref<100000x64xf32, #tpu.memory_space<hbm>> -> memref<100000x64xf32, #tpu.memory_space<hbm>>
    tpu.wait_indirect_dma semaphore(%arg13 : memref<!tpu.dma_semaphore, #tpu.memory_space<semaphore_mem>>) src(%dma_wait3A_55 : memref<100000x64xf32, #tpu.memory_space<hbm>>) dst(%dma_wait3A_49 : memref<128x64xf32, #tpu.memory_space<vmem>>)
    %add3A_56 = arith.constant 128 : i32
    %add3A_57 = arith.addi %add3A_9, %add3A_56 : i32
    %dma_start3A_58 = arith.constant 128 : i32
    %dma_start3A_59 = arith.constant 0 : i32
    %dma_start3A_60 = tpu.memref_slice %arg9[%dma_start3A_58, %dma_start3A_59] : memref<640x64xf32, #tpu.memory_space<vmem>> -> memref<128x64xf32, #tpu.memory_space<vmem>>
    %dma_start3A_61 = arith.constant 0 : i32
    %dma_start3A_62 = tpu.memref_slice %arg5[%add3A_57, %dma_start3A_61] : memref<409600x64xf32, #tpu.memory_space<hbm>> -> memref<128x64xf32, #tpu.memory_space<hbm>>
    %dma_start3A_63 = arith.constant 0 : i32
    %dma_start3A_64 = tpu.memref_slice %arg5[%add3A_57, %dma_start3A_63] : memref<409600x64xf32, #tpu.memory_space<hbm>> -> memref<128x64xf32, #tpu.memory_space<hbm>>
    %dma_start3A_65 = arith.constant 128 : i32
    %dma_start3A_66 = arith.constant 0 : i32
    %dma_start3A_67 = tpu.memref_slice %arg9[%dma_start3A_65, %dma_start3A_66] : memref<640x64xf32, #tpu.memory_space<vmem>> -> memref<128x64xf32, #tpu.memory_space<vmem>>
    tpu.enqueue_dma source(%dma_start3A_67 : memref<128x64xf32, #tpu.memory_space<vmem>>) target(%dma_start3A_64 : memref<128x64xf32, #tpu.memory_space<hbm>>) target_semaphore(%arg15 : memref<!tpu.dma_semaphore, #tpu.memory_space<semaphore_mem>>)
    %dma_wait3A_68 = arith.constant 96 : i32
    %dma_wait3A_69 = arith.constant 128 : i32
    %dma_wait3A_70 = tpu.memref_slice %arg11[%dma_wait3A_69] : memref<640xf32, #tpu.memory_space<vmem>> -> memref<128xf32, #tpu.memory_space<vmem>>
    %dma_wait3A_71 = arith.constant 0 : i32
    %dma_wait3A_72 = tpu.memref_slice %arg7[%dma_wait3A_68, %dma_wait3A_71] : memref<100x128xi32, #tpu.memory_space<vmem>> -> memref<1x128xi32, #tpu.memory_space<vmem>>
    %dma_wait3A_73 = tpu.memref_squeeze %dma_wait3A_72 : memref<1x128xi32, #tpu.memory_space<vmem>> -> memref<128xi32, #tpu.memory_space<vmem>>
    %dma_wait3A_74 = arith.constant 0 : i32
    %dma_wait3A_75 = tpu.memref_slice %arg4[%dma_wait3A_74] : memref<100000xf32, #tpu.memory_space<hbm>> -> memref<100000xf32, #tpu.memory_space<hbm>>
    tpu.wait_indirect_dma semaphore(%arg13 : memref<!tpu.dma_semaphore, #tpu.memory_space<semaphore_mem>>) src(%dma_wait3A_75 : memref<100000xf32, #tpu.memory_space<hbm>>) dst(%dma_wait3A_70 : memref<128xf32, #tpu.memory_space<vmem>>)
    %add3A_76 = arith.constant 128 : i32
    %add3A_77 = arith.addi %add3A_9, %add3A_76 : i32
    %dma_start3A_78 = arith.constant 128 : i32
    %dma_start3A_79 = tpu.memref_slice %arg11[%dma_start3A_78] : memref<640xf32, #tpu.memory_space<vmem>> -> memref<128xf32, #tpu.memory_space<vmem>>
    %dma_start3A_80 = tpu.memref_slice %arg6[%add3A_77] : memref<409600xf32, #tpu.memory_space<hbm>> -> memref<128xf32, #tpu.memory_space<hbm>>
    %dma_start3A_81 = tpu.memref_slice %arg6[%add3A_77] : memref<409600xf32, #tpu.memory_space<hbm>> -> memref<128xf32, #tpu.memory_space<hbm>>
    %dma_start3A_82 = arith.constant 128 : i32
    %dma_start3A_83 = tpu.memref_slice %arg11[%dma_start3A_82] : memref<640xf32, #tpu.memory_space<vmem>> -> memref<128xf32, #tpu.memory_space<vmem>>
    tpu.enqueue_dma source(%dma_start3A_83 : memref<128xf32, #tpu.memory_space<vmem>>) target(%dma_start3A_81 : memref<128xf32, #tpu.memory_space<hbm>>) target_semaphore(%arg15 : memref<!tpu.dma_semaphore, #tpu.memory_space<semaphore_mem>>)
    %dma_wait3A_84 = arith.constant 97 : i32
    %dma_wait3A_85 = arith.constant 256 : i32
    %dma_wait3A_86 = arith.constant 0 : i32
    %dma_wait3A_87 = tpu.memref_slice %arg9[%dma_wait3A_85, %dma_wait3A_86] : memref<640x64xf32, #tpu.memory_space<vmem>> -> memref<128x64xf32, #tpu.memory_space<vmem>>
    %dma_wait3A_88 = arith.constant 0 : i32
    %dma_wait3A_89 = tpu.memref_slice %arg7[%dma_wait3A_84, %dma_wait3A_88] : memref<100x128xi32, #tpu.memory_space<vmem>> -> memref<1x128xi32, #tpu.memory_space<vmem>>
    %dma_wait3A_90 = tpu.memref_squeeze %dma_wait3A_89 : memref<1x128xi32, #tpu.memory_space<vmem>> -> memref<128xi32, #tpu.memory_space<vmem>>
    %dma_wait3A_91 = arith.constant 0 : i32
    %dma_wait3A_92 = arith.constant 0 : i32
    %dma_wait3A_93 = tpu.memref_slice %arg3[%dma_wait3A_91, %dma_wait3A_92] : memref<100000x64xf32, #tpu.memory_space<hbm>> -> memref<100000x64xf32, #tpu.memory_space<hbm>>
    tpu.wait_indirect_dma semaphore(%arg13 : memref<!tpu.dma_semaphore, #tpu.memory_space<semaphore_mem>>) src(%dma_wait3A_93 : memref<100000x64xf32, #tpu.memory_space<hbm>>) dst(%dma_wait3A_87 : memref<128x64xf32, #tpu.memory_space<vmem>>)
    %add3A_94 = arith.constant 256 : i32
    %add3A_95 = arith.addi %add3A_9, %add3A_94 : i32
    %dma_start3A_96 = arith.constant 256 : i32
    %dma_start3A_97 = arith.constant 0 : i32
    %dma_start3A_98 = tpu.memref_slice %arg9[%dma_start3A_96, %dma_start3A_97] : memref<640x64xf32, #tpu.memory_space<vmem>> -> memref<128x64xf32, #tpu.memory_space<vmem>>
    %dma_start3A_99 = arith.constant 0 : i32
    %dma_start3A_100 = tpu.memref_slice %arg5[%add3A_95, %dma_start3A_99] : memref<409600x64xf32, #tpu.memory_space<hbm>> -> memref<128x64xf32, #tpu.memory_space<hbm>>
    %dma_start3A_101 = arith.constant 0 : i32
    %dma_start3A_102 = tpu.memref_slice %arg5[%add3A_95, %dma_start3A_101] : memref<409600x64xf32, #tpu.memory_space<hbm>> -> memref<128x64xf32, #tpu.memory_space<hbm>>
    %dma_start3A_103 = arith.constant 256 : i32
    %dma_start3A_104 = arith.constant 0 : i32
    %dma_start3A_105 = tpu.memref_slice %arg9[%dma_start3A_103, %dma_start3A_104] : memref<640x64xf32, #tpu.memory_space<vmem>> -> memref<128x64xf32, #tpu.memory_space<vmem>>
    tpu.enqueue_dma source(%dma_start3A_105 : memref<128x64xf32, #tpu.memory_space<vmem>>) target(%dma_start3A_102 : memref<128x64xf32, #tpu.memory_space<hbm>>) target_semaphore(%arg15 : memref<!tpu.dma_semaphore, #tpu.memory_space<semaphore_mem>>)
    %dma_wait3A_106 = arith.constant 97 : i32
    %dma_wait3A_107 = arith.constant 256 : i32
    %dma_wait3A_108 = tpu.memref_slice %arg11[%dma_wait3A_107] : memref<640xf32, #tpu.memory_space<vmem>> -> memref<128xf32, #tpu.memory_space<vmem>>
    %dma_wait3A_109 = arith.constant 0 : i32
    %dma_wait3A_110 = tpu.memref_slice %arg7[%dma_wait3A_106, %dma_wait3A_109] : memref<100x128xi32, #tpu.memory_space<vmem>> -> memref<1x128xi32, #tpu.memory_space<vmem>>
    %dma_wait3A_111 = tpu.memref_squeeze %dma_wait3A_110 : memref<1x128xi32, #tpu.memory_space<vmem>> -> memref<128xi32, #tpu.memory_space<vmem>>
    %dma_wait3A_112 = arith.constant 0 : i32
    %dma_wait3A_113 = tpu.memref_slice %arg4[%dma_wait3A_112] : memref<100000xf32, #tpu.memory_space<hbm>> -> memref<100000xf32, #tpu.memory_space<hbm>>
    tpu.wait_indirect_dma semaphore(%arg13 : memref<!tpu.dma_semaphore, #tpu.memory_space<semaphore_mem>>) src(%dma_wait3A_113 : memref<100000xf32, #tpu.memory_space<hbm>>) dst(%dma_wait3A_108 : memref<128xf32, #tpu.memory_space<vmem>>)
    %add3A_114 = arith.constant 256 : i32
    %add3A_115 = arith.addi %add3A_9, %add3A_114 : i32
    %dma_start3A_116 = arith.constant 256 : i32
    %dma_start3A_117 = tpu.memref_slice %arg11[%dma_start3A_116] : memref<640xf32, #tpu.memory_space<vmem>> -> memref<128xf32, #tpu.memory_space<vmem>>
    %dma_start3A_118 = tpu.memref_slice %arg6[%add3A_115] : memref<409600xf32, #tpu.memory_space<hbm>> -> memref<128xf32, #tpu.memory_space<hbm>>
    %dma_start3A_119 = tpu.memref_slice %arg6[%add3A_115] : memref<409600xf32, #tpu.memory_space<hbm>> -> memref<128xf32, #tpu.memory_space<hbm>>
    %dma_start3A_120 = arith.constant 256 : i32
    %dma_start3A_121 = tpu.memref_slice %arg11[%dma_start3A_120] : memref<640xf32, #tpu.memory_space<vmem>> -> memref<128xf32, #tpu.memory_space<vmem>>
    tpu.enqueue_dma source(%dma_start3A_121 : memref<128xf32, #tpu.memory_space<vmem>>) target(%dma_start3A_119 : memref<128xf32, #tpu.memory_space<hbm>>) target_semaphore(%arg15 : memref<!tpu.dma_semaphore, #tpu.memory_space<semaphore_mem>>)
    %dma_wait3A_122 = arith.constant 98 : i32
    %dma_wait3A_123 = arith.constant 384 : i32
    %dma_wait3A_124 = arith.constant 0 : i32
    %dma_wait3A_125 = tpu.memref_slice %arg9[%dma_wait3A_123, %dma_wait3A_124] : memref<640x64xf32, #tpu.memory_space<vmem>> -> memref<128x64xf32, #tpu.memory_space<vmem>>
    %dma_wait3A_126 = arith.constant 0 : i32
    %dma_wait3A_127 = tpu.memref_slice %arg7[%dma_wait3A_122, %dma_wait3A_126] : memref<100x128xi32, #tpu.memory_space<vmem>> -> memref<1x128xi32, #tpu.memory_space<vmem>>
    %dma_wait3A_128 = tpu.memref_squeeze %dma_wait3A_127 : memref<1x128xi32, #tpu.memory_space<vmem>> -> memref<128xi32, #tpu.memory_space<vmem>>
    %dma_wait3A_129 = arith.constant 0 : i32
    %dma_wait3A_130 = arith.constant 0 : i32
    %dma_wait3A_131 = tpu.memref_slice %arg3[%dma_wait3A_129, %dma_wait3A_130] : memref<100000x64xf32, #tpu.memory_space<hbm>> -> memref<100000x64xf32, #tpu.memory_space<hbm>>
    tpu.wait_indirect_dma semaphore(%arg13 : memref<!tpu.dma_semaphore, #tpu.memory_space<semaphore_mem>>) src(%dma_wait3A_131 : memref<100000x64xf32, #tpu.memory_space<hbm>>) dst(%dma_wait3A_125 : memref<128x64xf32, #tpu.memory_space<vmem>>)
    %add3A_132 = arith.constant 384 : i32
    %add3A_133 = arith.addi %add3A_9, %add3A_132 : i32
    %dma_start3A_134 = arith.constant 384 : i32
    %dma_start3A_135 = arith.constant 0 : i32
    %dma_start3A_136 = tpu.memref_slice %arg9[%dma_start3A_134, %dma_start3A_135] : memref<640x64xf32, #tpu.memory_space<vmem>> -> memref<128x64xf32, #tpu.memory_space<vmem>>
    %dma_start3A_137 = arith.constant 0 : i32
    %dma_start3A_138 = tpu.memref_slice %arg5[%add3A_133, %dma_start3A_137] : memref<409600x64xf32, #tpu.memory_space<hbm>> -> memref<128x64xf32, #tpu.memory_space<hbm>>
    %dma_start3A_139 = arith.constant 0 : i32
    %dma_start3A_140 = tpu.memref_slice %arg5[%add3A_133, %dma_start3A_139] : memref<409600x64xf32, #tpu.memory_space<hbm>> -> memref<128x64xf32, #tpu.memory_space<hbm>>
    %dma_start3A_141 = arith.constant 384 : i32
    %dma_start3A_142 = arith.constant 0 : i32
    %dma_start3A_143 = tpu.memref_slice %arg9[%dma_start3A_141, %dma_start3A_142] : memref<640x64xf32, #tpu.memory_space<vmem>> -> memref<128x64xf32, #tpu.memory_space<vmem>>
    tpu.enqueue_dma source(%dma_start3A_143 : memref<128x64xf32, #tpu.memory_space<vmem>>) target(%dma_start3A_140 : memref<128x64xf32, #tpu.memory_space<hbm>>) target_semaphore(%arg15 : memref<!tpu.dma_semaphore, #tpu.memory_space<semaphore_mem>>)
    %dma_wait3A_144 = arith.constant 98 : i32
    %dma_wait3A_145 = arith.constant 384 : i32
    %dma_wait3A_146 = tpu.memref_slice %arg11[%dma_wait3A_145] : memref<640xf32, #tpu.memory_space<vmem>> -> memref<128xf32, #tpu.memory_space<vmem>>
    %dma_wait3A_147 = arith.constant 0 : i32
    %dma_wait3A_148 = tpu.memref_slice %arg7[%dma_wait3A_144, %dma_wait3A_147] : memref<100x128xi32, #tpu.memory_space<vmem>> -> memref<1x128xi32, #tpu.memory_space<vmem>>
    %dma_wait3A_149 = tpu.memref_squeeze %dma_wait3A_148 : memref<1x128xi32, #tpu.memory_space<vmem>> -> memref<128xi32, #tpu.memory_space<vmem>>
    %dma_wait3A_150 = arith.constant 0 : i32
    %dma_wait3A_151 = tpu.memref_slice %arg4[%dma_wait3A_150] : memref<100000xf32, #tpu.memory_space<hbm>> -> memref<100000xf32, #tpu.memory_space<hbm>>
    tpu.wait_indirect_dma semaphore(%arg13 : memref<!tpu.dma_semaphore, #tpu.memory_space<semaphore_mem>>) src(%dma_wait3A_151 : memref<100000xf32, #tpu.memory_space<hbm>>) dst(%dma_wait3A_146 : memref<128xf32, #tpu.memory_space<vmem>>)
    %add3A_152 = arith.constant 384 : i32
    %add3A_153 = arith.addi %add3A_9, %add3A_152 : i32
    %dma_start3A_154 = arith.constant 384 : i32
    %dma_start3A_155 = tpu.memref_slice %arg11[%dma_start3A_154] : memref<640xf32, #tpu.memory_space<vmem>> -> memref<128xf32, #tpu.memory_space<vmem>>
    %dma_start3A_156 = tpu.memref_slice %arg6[%add3A_153] : memref<409600xf32, #tpu.memory_space<hbm>> -> memref<128xf32, #tpu.memory_space<hbm>>
    %dma_start3A_157 = tpu.memref_slice %arg6[%add3A_153] : memref<409600xf32, #tpu.memory_space<hbm>> -> memref<128xf32, #tpu.memory_space<hbm>>
    %dma_start3A_158 = arith.constant 384 : i32
    %dma_start3A_159 = tpu.memref_slice %arg11[%dma_start3A_158] : memref<640xf32, #tpu.memory_space<vmem>> -> memref<128xf32, #tpu.memory_space<vmem>>
    tpu.enqueue_dma source(%dma_start3A_159 : memref<128xf32, #tpu.memory_space<vmem>>) target(%dma_start3A_157 : memref<128xf32, #tpu.memory_space<hbm>>) target_semaphore(%arg15 : memref<!tpu.dma_semaphore, #tpu.memory_space<semaphore_mem>>)
    %dma_wait3A_160 = arith.constant 99 : i32
    %dma_wait3A_161 = arith.constant 512 : i32
    %dma_wait3A_162 = arith.constant 0 : i32
    %dma_wait3A_163 = tpu.memref_slice %arg9[%dma_wait3A_161, %dma_wait3A_162] : memref<640x64xf32, #tpu.memory_space<vmem>> -> memref<128x64xf32, #tpu.memory_space<vmem>>
    %dma_wait3A_164 = arith.constant 0 : i32
    %dma_wait3A_165 = tpu.memref_slice %arg7[%dma_wait3A_160, %dma_wait3A_164] : memref<100x128xi32, #tpu.memory_space<vmem>> -> memref<1x128xi32, #tpu.memory_space<vmem>>
    %dma_wait3A_166 = tpu.memref_squeeze %dma_wait3A_165 : memref<1x128xi32, #tpu.memory_space<vmem>> -> memref<128xi32, #tpu.memory_space<vmem>>
    %dma_wait3A_167 = arith.constant 0 : i32
    %dma_wait3A_168 = arith.constant 0 : i32
    %dma_wait3A_169 = tpu.memref_slice %arg3[%dma_wait3A_167, %dma_wait3A_168] : memref<100000x64xf32, #tpu.memory_space<hbm>> -> memref<100000x64xf32, #tpu.memory_space<hbm>>
    tpu.wait_indirect_dma semaphore(%arg13 : memref<!tpu.dma_semaphore, #tpu.memory_space<semaphore_mem>>) src(%dma_wait3A_169 : memref<100000x64xf32, #tpu.memory_space<hbm>>) dst(%dma_wait3A_163 : memref<128x64xf32, #tpu.memory_space<vmem>>)
    %add3A_170 = arith.constant 512 : i32
    %add3A_171 = arith.addi %add3A_9, %add3A_170 : i32
    %dma_start3A_172 = arith.constant 512 : i32
    %dma_start3A_173 = arith.constant 0 : i32
    %dma_start3A_174 = tpu.memref_slice %arg9[%dma_start3A_172, %dma_start3A_173] : memref<640x64xf32, #tpu.memory_space<vmem>> -> memref<128x64xf32, #tpu.memory_space<vmem>>
    %dma_start3A_175 = arith.constant 0 : i32
    %dma_start3A_176 = tpu.memref_slice %arg5[%add3A_171, %dma_start3A_175] : memref<409600x64xf32, #tpu.memory_space<hbm>> -> memref<128x64xf32, #tpu.memory_space<hbm>>
    %dma_start3A_177 = arith.constant 0 : i32
    %dma_start3A_178 = tpu.memref_slice %arg5[%add3A_171, %dma_start3A_177] : memref<409600x64xf32, #tpu.memory_space<hbm>> -> memref<128x64xf32, #tpu.memory_space<hbm>>
    %dma_start3A_179 = arith.constant 512 : i32
    %dma_start3A_180 = arith.constant 0 : i32
    %dma_start3A_181 = tpu.memref_slice %arg9[%dma_start3A_179, %dma_start3A_180] : memref<640x64xf32, #tpu.memory_space<vmem>> -> memref<128x64xf32, #tpu.memory_space<vmem>>
    tpu.enqueue_dma source(%dma_start3A_181 : memref<128x64xf32, #tpu.memory_space<vmem>>) target(%dma_start3A_178 : memref<128x64xf32, #tpu.memory_space<hbm>>) target_semaphore(%arg15 : memref<!tpu.dma_semaphore, #tpu.memory_space<semaphore_mem>>)
    %dma_wait3A_182 = arith.constant 99 : i32
    %dma_wait3A_183 = arith.constant 512 : i32
    %dma_wait3A_184 = tpu.memref_slice %arg11[%dma_wait3A_183] : memref<640xf32, #tpu.memory_space<vmem>> -> memref<128xf32, #tpu.memory_space<vmem>>
    %dma_wait3A_185 = arith.constant 0 : i32
    %dma_wait3A_186 = tpu.memref_slice %arg7[%dma_wait3A_182, %dma_wait3A_185] : memref<100x128xi32, #tpu.memory_space<vmem>> -> memref<1x128xi32, #tpu.memory_space<vmem>>
    %dma_wait3A_187 = tpu.memref_squeeze %dma_wait3A_186 : memref<1x128xi32, #tpu.memory_space<vmem>> -> memref<128xi32, #tpu.memory_space<vmem>>
    %dma_wait3A_188 = arith.constant 0 : i32
    %dma_wait3A_189 = tpu.memref_slice %arg4[%dma_wait3A_188] : memref<100000xf32, #tpu.memory_space<hbm>> -> memref<100000xf32, #tpu.memory_space<hbm>>
    tpu.wait_indirect_dma semaphore(%arg13 : memref<!tpu.dma_semaphore, #tpu.memory_space<semaphore_mem>>) src(%dma_wait3A_189 : memref<100000xf32, #tpu.memory_space<hbm>>) dst(%dma_wait3A_184 : memref<128xf32, #tpu.memory_space<vmem>>)
    %add3A_190 = arith.constant 512 : i32
    %add3A_191 = arith.addi %add3A_9, %add3A_190 : i32
    %dma_start3A_192 = arith.constant 512 : i32
    %dma_start3A_193 = tpu.memref_slice %arg11[%dma_start3A_192] : memref<640xf32, #tpu.memory_space<vmem>> -> memref<128xf32, #tpu.memory_space<vmem>>
    %dma_start3A_194 = tpu.memref_slice %arg6[%add3A_191] : memref<409600xf32, #tpu.memory_space<hbm>> -> memref<128xf32, #tpu.memory_space<hbm>>
    %dma_start3A_195 = tpu.memref_slice %arg6[%add3A_191] : memref<409600xf32, #tpu.memory_space<hbm>> -> memref<128xf32, #tpu.memory_space<hbm>>
    %dma_start3A_196 = arith.constant 512 : i32
    %dma_start3A_197 = tpu.memref_slice %arg11[%dma_start3A_196] : memref<640xf32, #tpu.memory_space<vmem>> -> memref<128xf32, #tpu.memory_space<vmem>>
    tpu.enqueue_dma source(%dma_start3A_197 : memref<128xf32, #tpu.memory_space<vmem>>) target(%dma_start3A_195 : memref<128xf32, #tpu.memory_space<hbm>>) target_semaphore(%arg15 : memref<!tpu.dma_semaphore, #tpu.memory_space<semaphore_mem>>)
    %mul3A_198 = arith.constant 12800 : i32
    %mul3A_199 = arith.muli %add3A, %mul3A_198 : i32
    %add3A_200 = arith.constant 11520 : i32
    %add3A_201 = arith.addi %mul3A_199, %add3A_200 : i32
    %dma_wait3A_202 = arith.constant 0 : i32
    %dma_wait3A_203 = tpu.memref_slice %arg5[%add3A_201, %dma_wait3A_202] : memref<409600x64xf32, #tpu.memory_space<hbm>> -> memref<640x64xf32, #tpu.memory_space<hbm>>
    %dma_wait3A_204 = arith.constant 0 : i32
    %dma_wait3A_205 = tpu.memref_slice %arg5[%add3A_201, %dma_wait3A_204] : memref<409600x64xf32, #tpu.memory_space<hbm>> -> memref<640x64xf32, #tpu.memory_space<hbm>>
    tpu.wait_dma2 semaphore(%arg14 : memref<!tpu.dma_semaphore, #tpu.memory_space<semaphore_mem>>) src(%arg8 : memref<640x64xf32, #tpu.memory_space<vmem>>) dst(%dma_wait3A_205 : memref<640x64xf32, #tpu.memory_space<hbm>>)
    %dma_wait3A_206 = tpu.memref_slice %arg6[%add3A_201] : memref<409600xf32, #tpu.memory_space<hbm>> -> memref<640xf32, #tpu.memory_space<hbm>>
    %dma_wait3A_207 = tpu.memref_slice %arg6[%add3A_201] : memref<409600xf32, #tpu.memory_space<hbm>> -> memref<640xf32, #tpu.memory_space<hbm>>
    tpu.wait_dma2 semaphore(%arg14 : memref<!tpu.dma_semaphore, #tpu.memory_space<semaphore_mem>>) src(%arg10 : memref<640xf32, #tpu.memory_space<vmem>>) dst(%dma_wait3A_207 : memref<640xf32, #tpu.memory_space<hbm>>)
    %mul3A_208 = arith.constant 12800 : i32
    %mul3A_209 = arith.muli %add3A, %mul3A_208 : i32
    %add3A_210 = arith.constant 12160 : i32
    %add3A_211 = arith.addi %mul3A_209, %add3A_210 : i32
    %dma_wait3A_212 = arith.constant 0 : i32
    %dma_wait3A_213 = tpu.memref_slice %arg5[%add3A_211, %dma_wait3A_212] : memref<409600x64xf32, #tpu.memory_space<hbm>> -> memref<640x64xf32, #tpu.memory_space<hbm>>
    %dma_wait3A_214 = arith.constant 0 : i32
    %dma_wait3A_215 = tpu.memref_slice %arg5[%add3A_211, %dma_wait3A_214] : memref<409600x64xf32, #tpu.memory_space<hbm>> -> memref<640x64xf32, #tpu.memory_space<hbm>>
    tpu.wait_dma2 semaphore(%arg15 : memref<!tpu.dma_semaphore, #tpu.memory_space<semaphore_mem>>) src(%arg9 : memref<640x64xf32, #tpu.memory_space<vmem>>) dst(%dma_wait3A_215 : memref<640x64xf32, #tpu.memory_space<hbm>>)
    %dma_wait3A_216 = tpu.memref_slice %arg6[%add3A_211] : memref<409600xf32, #tpu.memory_space<hbm>> -> memref<640xf32, #tpu.memory_space<hbm>>
    %dma_wait3A_217 = tpu.memref_slice %arg6[%add3A_211] : memref<409600xf32, #tpu.memory_space<hbm>> -> memref<640xf32, #tpu.memory_space<hbm>>
    tpu.wait_dma2 semaphore(%arg15 : memref<!tpu.dma_semaphore, #tpu.memory_space<semaphore_mem>>) src(%arg11 : memref<640xf32, #tpu.memory_space<vmem>>) dst(%dma_wait3A_217 : memref<640xf32, #tpu.memory_space<hbm>>)
    return
  }
}

module attributes {stable_mosaic.version = 14 : i64} {
  func.func @_mask_body(%arg0: memref<100x100xf32, #tpu.memory_space<vmem>>, %arg1: memref<100x100xf32, #tpu.memory_space<vmem>>) attributes {dimension_semantics = [], scalar_prefetch = 0 : i64, scratch_operands = 0 : i64, tpu.core_type = #tpu.core_type<tc>} {
    %get3A = arith.constant 0 : index
    %get3A_0 = arith.constant 0 : index
    %get3A_1 = vector.load %arg0[%get3A, %get3A_0] : memref<100x100xf32, #tpu.memory_space<vmem>>, vector<100x100xf32>
    %iota3A = tpu.iota {dimensions = array<i32: 0>} : vector<100x100xi32>
    %iota3A_2 = tpu.iota {dimensions = array<i32: 1>} : vector<100x100xi32>
    %gt3A = arith.cmpi sgt, %iota3A_2, %iota3A : vector<100x100xi32>
    %jit3A = arith.constant 0.000000e+00 : f32
    %broadcast_in_dim3A = vector.broadcast %jit3A : f32 to vector<100x100xf32>
    %select_n3A = arith.select %gt3A, %get3A_1, %broadcast_in_dim3A : vector<100x100xi1>, vector<100x100xf32>
    %abs3A = math.absf %select_n3A : vector<100x100xf32>
    %bitcast_convert_type3A = tpu.bitcast %abs3A : vector<100x100xf32> -> vector<100x100xi32>
    %scan3A = arith.constant 0 : i32
    %scan3A_3 = arith.constant 2139095040 : i32
    %scan3A_4 = arith.constant 0 : i32
    %scan3A_5 = arith.constant 31 : i32
    %scan3A_6 = arith.addi %scan3A_4, %scan3A_5 : i32
    %scan3A_7 = arith.constant 1 : i32
    %scan3A_8:2 = scf.for %scan3A_38 = %scan3A_4 to %scan3A_6 step %scan3A_7 iter_args(%scan3A_39 = %scan3A, %scan3A_40 = %scan3A_3) -> (i32, i32)  : i32 {
      %sub3A_41 = arith.subi %scan3A_40, %scan3A_39 : i32
      %jit3A_42 = arith.constant 2 : i32
      %div3A = arith.divsi %sub3A_41, %jit3A_42 : i32
      %sign3A = arith.constant 0 : i32
      %sign3A_43 = arith.cmpi sgt, %sub3A_41, %sign3A : i32
      %sign3A_44 = arith.extui %sign3A_43 : i1 to i32
      %sign3A_45 = arith.constant 0 : i32
      %sign3A_46 = arith.cmpi slt, %sub3A_41, %sign3A_45 : i32
      %sign3A_47 = arith.extui %sign3A_46 : i1 to i32
      %sign3A_48 = arith.subi %sign3A_44, %sign3A_47 : i32
      %sign3A_49 = arith.constant 0 : i32
      %sign3A_50 = arith.cmpi sgt, %jit3A_42, %sign3A_49 : i32
      %sign3A_51 = arith.extui %sign3A_50 : i1 to i32
      %sign3A_52 = arith.constant 0 : i32
      %sign3A_53 = arith.cmpi slt, %jit3A_42, %sign3A_52 : i32
      %sign3A_54 = arith.extui %sign3A_53 : i1 to i32
      %sign3A_55 = arith.subi %sign3A_51, %sign3A_54 : i32
      %ne3A = arith.cmpi ne, %sign3A_48, %sign3A_55 : i32
      %rem3A = arith.remsi %sub3A_41, %jit3A_42 : i32
      %ne3A_56 = arith.constant 0 : i32
      %ne3A_57 = arith.cmpi ne, %rem3A, %ne3A_56 : i32
      %and3A_58 = arith.andi %ne3A, %ne3A_57 : i1
      %sub3A_59 = arith.constant 1 : i32
      %sub3A_60 = arith.subi %div3A, %sub3A_59 : i32
      %select_n3A_61 = arith.select %and3A_58, %sub3A_60, %div3A : i32
      %add3A_62 = arith.addi %scan3A_39, %select_n3A_61 : i32
      %ge3A = vector.broadcast %add3A_62 : i32 to vector<100x100xi32>
      %ge3A_63 = arith.cmpi sge, %bitcast_convert_type3A, %ge3A : vector<100x100xi32>
      %convert_element_type3A_64 = arith.extui %ge3A_63 : vector<100x100xi1> to vector<100x100xi32>
      %reduce_sum3A_65 = vector.shape_cast %convert_element_type3A_64 : vector<100x100xi32> to vector<1x100x100xi32>
      %reduce_sum3A_66 = arith.constant dense<0> : vector<1xi32>
      %reduce_sum3A_67 = vector.multi_reduction <add>, %reduce_sum3A_65, %reduce_sum3A_66 [1, 2] : vector<1x100x100xi32> to vector<1xi32>
      %reduce_sum3A_68 = vector.shape_cast %reduce_sum3A_67 : vector<1xi32> to vector<1x1x1xi32>
      %reduce_sum3A_69 = vector.extract %reduce_sum3A_68[0, 0, 0] : i32 from vector<1x1x1xi32>
      %ge3A_70 = arith.constant 500 : i32
      %ge3A_71 = arith.cmpi sge, %reduce_sum3A_69, %ge3A_70 : i32
      %select_n3A_72 = arith.select %ge3A_71, %add3A_62, %scan3A_39 : i32
      %select_n3A_73 = arith.select %ge3A_71, %scan3A_40, %add3A_62 : i32
      scf.yield %select_n3A_72, %select_n3A_73 : i32, i32
    }
    %gt3A_9 = vector.broadcast %scan3A_8#0 : i32 to vector<100x100xi32>
    %gt3A_10 = arith.cmpi sgt, %bitcast_convert_type3A, %gt3A_9 : vector<100x100xi32>
    %eq3A = vector.broadcast %scan3A_8#0 : i32 to vector<100x100xi32>
    %eq3A_11 = arith.cmpi eq, %bitcast_convert_type3A, %eq3A : vector<100x100xi32>
    %convert_element_type3A = arith.extui %gt3A_10 : vector<100x100xi1> to vector<100x100xi32>
    %convert_element_type3A_12 = arith.sitofp %convert_element_type3A : vector<100x100xi32> to vector<100x100xf32>
    %reduce_sum3A = vector.shape_cast %convert_element_type3A_12 : vector<100x100xf32> to vector<1x100x100xf32>
    %reduce_sum3A_13 = arith.constant dense<0.000000e+00> : vector<1xf32>
    %reduce_sum3A_14 = vector.multi_reduction <add>, %reduce_sum3A, %reduce_sum3A_13 [1, 2] : vector<1x100x100xf32> to vector<1xf32>
    %reduce_sum3A_15 = vector.shape_cast %reduce_sum3A_14 : vector<1xf32> to vector<1x1x1xf32>
    %reduce_sum3A_16 = vector.extract %reduce_sum3A_15[0, 0, 0] : f32 from vector<1x1x1xf32>
    %sub3A = arith.constant 5.000000e+02 : f32
    %sub3A_17 = arith.subf %sub3A, %reduce_sum3A_16 : f32
    %convert_element_type3A_18 = arith.extui %eq3A_11 : vector<100x100xi1> to vector<100x100xi32>
    %convert_element_type3A_19 = arith.sitofp %convert_element_type3A_18 : vector<100x100xi32> to vector<100x100xf32>
    %reduce_sum3A_20 = arith.constant dense<0.000000e+00> : vector<100xf32>
    %reduce_sum3A_21 = vector.multi_reduction <add>, %convert_element_type3A_19, %reduce_sum3A_20 [1] : vector<100x100xf32> to vector<100xf32>
    %broadcast_in_dim3A_22 = vector.shape_cast %reduce_sum3A_21 : vector<100xf32> to vector<100x1xf32>
    %lt3A = arith.cmpi slt, %iota3A_2, %iota3A : vector<100x100xi32>
    %convert_element_type3A_23 = arith.extui %lt3A : vector<100x100xi1> to vector<100x100xi32>
    %convert_element_type3A_24 = arith.sitofp %convert_element_type3A_23 : vector<100x100xi32> to vector<100x100xf32>
    %dot_general3A = arith.constant dense<0.000000e+00> : vector<100x1xf32>
    %dot_general3A_25 = tpu.matmul %convert_element_type3A_24, %broadcast_in_dim3A_22, %dot_general3A {dimension_numbers = #tpu.dot_dimension_numbers<[1], [0], [0], [1], [0, 0, 1, 1], [], []>, transpose_lhs_hint = false} : vector<100x100xf32>, vector<100x1xf32>, vector<100x1xf32> -> vector<100x1xf32>
    %le3A = arith.cmpi sle, %iota3A, %iota3A_2 : vector<100x100xi32>
    %convert_element_type3A_26 = arith.extui %le3A : vector<100x100xi1> to vector<100x100xi32>
    %convert_element_type3A_27 = arith.sitofp %convert_element_type3A_26 : vector<100x100xi32> to vector<100x100xf32>
    %dot_general3A_28 = arith.constant dense<0.000000e+00> : vector<100x100xf32>
    %dot_general3A_29 = tpu.matmul %convert_element_type3A_19, %convert_element_type3A_27, %dot_general3A_28 {dimension_numbers = #tpu.dot_dimension_numbers<[1], [0], [0], [1], [0, 0, 1, 1], [], []>, transpose_lhs_hint = false} : vector<100x100xf32>, vector<100x100xf32>, vector<100x100xf32> -> vector<100x100xf32>
    %add3A = vector.broadcast %dot_general3A_25 : vector<100x1xf32> to vector<100x100xf32>
    %add3A_30 = arith.addf %add3A, %dot_general3A_29 : vector<100x100xf32>
    %le3A_31 = vector.broadcast %sub3A_17 : f32 to vector<100x100xf32>
    %le3A_32 = arith.cmpf ole, %add3A_30, %le3A_31 : vector<100x100xf32>
    %and3A = arith.andi %eq3A_11, %le3A_32 : vector<100x100xi1>
    %or3A = arith.ori %gt3A_10, %and3A : vector<100x100xi1>
    %jit3A_33 = arith.constant 0.000000e+00 : f32
    %broadcast_in_dim3A_34 = vector.broadcast %jit3A_33 : f32 to vector<100x100xf32>
    %select_n3A_35 = arith.select %or3A, %select_n3A, %broadcast_in_dim3A_34 : vector<100x100xi1>, vector<100x100xf32>
    %swap3A = arith.constant 0 : index
    %swap3A_36 = arith.constant 0 : index
    %swap3A_37 = vector.load %arg1[%swap3A, %swap3A_36] : memref<100x100xf32, #tpu.memory_space<vmem>>, vector<100x100xf32>
    tpu.vector_store %arg1[%swap3A, %swap3A_36], %select_n3A_35 {strides = array<i32>} : memref<100x100xf32, #tpu.memory_space<vmem>>, vector<100x100xf32>,
    return
  }
}

module attributes {stable_mosaic.version = 14 : i64} {
  func.func @_fm_kernel(%arg0: i32, %arg1: memref<100x64x128xf32, #tpu.memory_space<vmem>>, %arg2: memref<100x1x1x128xf32, #tpu.memory_space<vmem>>, %arg3: memref<100x100xf32, #tpu.memory_space<vmem>>, %arg4: memref<1x1xf32, #tpu.memory_space<vmem>>, %arg5: memref<1x128xf32, #tpu.memory_space<vmem>>, %arg6: memref<8192x128xf32, #tpu.memory_space<vmem>>) attributes {dimension_semantics = [#tpu.dimension_semantics<arbitrary>], iteration_bounds = array<i64: 32>, scalar_prefetch = 0 : i64, scratch_operands = 1 : i64, tpu.core_type = #tpu.core_type<tc>, window_params = [{transform_indices = @transform_0, window_bounds = array<i64: 100, 64, 128>}, {transform_indices = @transform_1, window_bounds = array<i64: 100, 1, 1, 128>}, {pipeline_mode = #tpu.pipeline_mode<synchronous>, transform_indices = @transform_2, window_bounds = array<i64: 100, 100>}, {pipeline_mode = #tpu.pipeline_mode<synchronous>, transform_indices = @transform_3, window_bounds = array<i64: 1, 1>}, {transform_indices = @transform_4, window_bounds = array<i64: 1, 128>}]} {
    %eq3A = arith.constant 0 : i32
    %eq3A_0 = arith.cmpi eq, %arg0, %eq3A : i32
    %convert_element_type3A = arith.extui %eq3A_0 : i1 to i32
    %cond3A = arith.constant 0 : i32
    %cond3A_1 = arith.cmpi ne, %convert_element_type3A, %cond3A : i32
    scf.if %cond3A_1 {
      %iota3A = tpu.iota {dimensions = array<i32: 0>} : vector<8192x128xi32>
      %iota3A_32 = tpu.iota {dimensions = array<i32: 1>} : vector<8192x128xi32>
      %shift_right_logical3A = arith.constant 6 : i32
      %shift_right_logical3A_33 = vector.broadcast %shift_right_logical3A : i32 to vector<8192x128xi32>
      %shift_right_logical3A_34 = arith.shrui %iota3A, %shift_right_logical3A_33 : vector<8192x128xi32>
      %eq3A_35 = arith.cmpi eq, %shift_right_logical3A_34, %iota3A_32 : vector<8192x128xi32>
      %convert_element_type3A_36 = arith.extui %eq3A_35 : vector<8192x128xi1> to vector<8192x128xi32>
      %convert_element_type3A_37 = arith.sitofp %convert_element_type3A_36 : vector<8192x128xi32> to vector<8192x128xf32>
      %swap3A_38 = arith.constant 0 : index
      %swap3A_39 = arith.constant 0 : index
      %swap3A_40 = vector.load %arg6[%swap3A_38, %swap3A_39] : memref<8192x128xf32, #tpu.memory_space<vmem>>, vector<8192x128xf32>
      tpu.vector_store %arg6[%swap3A_38, %swap3A_39], %convert_element_type3A_37 {strides = array<i32>} : memref<8192x128xf32, #tpu.memory_space<vmem>>, vector<8192x128xf32>,
    } else {
    }
    %get3A = arith.constant 0 : index
    %get3A_2 = arith.constant 0 : index
    %get3A_3 = arith.constant 0 : index
    %get3A_4 = vector.load %arg1[%get3A, %get3A_2, %get3A_3] : memref<100x64x128xf32, #tpu.memory_space<vmem>>, vector<100x64x128xf32>
    %reshape3A = vector.shape_cast %get3A_4 : vector<100x64x128xf32> to vector<100x8192xf32>
    %get3A_5 = arith.constant 0 : index
    %get3A_6 = arith.constant 0 : index
    %get3A_7 = vector.load %arg3[%get3A_5, %get3A_6] : memref<100x100xf32, #tpu.memory_space<vmem>>, vector<100x100xf32>
    %dot_general3A = arith.constant dense<0.000000e+00> : vector<100x8192xf32>
    %dot_general3A_8 = tpu.matmul %get3A_7, %reshape3A, %dot_general3A {dimension_numbers = #tpu.dot_dimension_numbers<[1], [0], [0], [1], [0, 0, 1, 1], [], []>, transpose_lhs_hint = false} : vector<100x100xf32>, vector<100x8192xf32>, vector<100x8192xf32> -> vector<100x8192xf32>
    %broadcast_in_dim3A = arith.constant 1.000000e+00 : f32
    %broadcast_in_dim3A_9 = vector.broadcast %broadcast_in_dim3A : f32 to vector<1x100xf32>
    %mul3A = arith.mulf %reshape3A, %dot_general3A_8 : vector<100x8192xf32>
    %dot_general3A_10 = arith.constant dense<0.000000e+00> : vector<1x8192xf32>
    %dot_general3A_11 = tpu.matmul %broadcast_in_dim3A_9, %mul3A, %dot_general3A_10 {dimension_numbers = #tpu.dot_dimension_numbers<[1], [0], [0], [1], [0, 0, 1, 1], [], []>, transpose_lhs_hint = false} : vector<1x100xf32>, vector<100x8192xf32>, vector<1x8192xf32> -> vector<1x8192xf32>
    %get3A_12 = arith.constant 0 : index
    %get3A_13 = arith.constant 0 : index
    %get3A_14 = vector.load %arg6[%get3A_12, %get3A_13] : memref<8192x128xf32, #tpu.memory_space<vmem>>, vector<8192x128xf32>
    %dot_general3A_15 = arith.constant dense<0.000000e+00> : vector<1x128xf32>
    %dot_general3A_16 = tpu.matmul %dot_general3A_11, %get3A_14, %dot_general3A_15 {dimension_numbers = #tpu.dot_dimension_numbers<[1], [0], [0], [1], [0, 0, 1, 1], [], []>, transpose_lhs_hint = false} : vector<1x8192xf32>, vector<8192x128xf32>, vector<1x128xf32> -> vector<1x128xf32>
    %get3A_17 = arith.constant 0 : index
    %get3A_18 = arith.constant 0 : index
    %get3A_19 = arith.constant 0 : index
    %get3A_20 = arith.constant 0 : index
    %get3A_21 = vector.load %arg2[%get3A_17, %get3A_18, %get3A_19, %get3A_20] : memref<100x1x1x128xf32, #tpu.memory_space<vmem>>, vector<100x1x1x128xf32>
    %squeeze3A = vector.shape_cast %get3A_21 : vector<100x1x1x128xf32> to vector<100x128xf32>
    %reduce_sum3A = arith.constant dense<0.000000e+00> : vector<128xf32>
    %reduce_sum3A_22 = vector.multi_reduction <add>, %squeeze3A, %reduce_sum3A [0] : vector<100x128xf32> to vector<128xf32>
    %broadcast_in_dim3A_23 = vector.shape_cast %reduce_sum3A_22 : vector<128xf32> to vector<1x128xf32>
    %add3A = arith.addf %dot_general3A_16, %broadcast_in_dim3A_23 : vector<1x128xf32>
    %get3A_24 = arith.constant 0 : index
    %get3A_25 = arith.constant 0 : index
    %get3A_26 = vector.load %arg4[%get3A_24, %get3A_25] : memref<1x1xf32, #tpu.memory_space<vmem>>, vector<1x1xf32>
    %get3A_27 = vector.extract %get3A_26[0, 0] : f32 from vector<1x1xf32>
    %add3A_28 = vector.broadcast %get3A_27 : f32 to vector<1x128xf32>
    %add3A_29 = arith.addf %add3A, %add3A_28 : vector<1x128xf32>
    %swap3A = arith.constant 0 : index
    %swap3A_30 = arith.constant 0 : index
    %swap3A_31 = vector.load %arg5[%swap3A, %swap3A_30] : memref<1x128xf32, #tpu.memory_space<vmem>>, vector<1x128xf32>
    tpu.vector_store %arg5[%swap3A, %swap3A_30], %add3A_29 {strides = array<i32>} : memref<1x128xf32, #tpu.memory_space<vmem>>, vector<1x128xf32>,
    return
  }
  func.func @transform_0(%arg0: i32) -> (i32, i32, i32) {
    %c0_i32 = arith.constant 0 : i32
    %c0_i32_0 = arith.constant 0 : i32
    %c0_i32_1 = arith.constant 0 : i32
    return %c0_i32, %arg0, %c0_i32_0 : i32, i32, i32
  }
  func.func @transform_1(%arg0: i32) -> (i32, i32, i32, i32) {
    %c0_i32 = arith.constant 0 : i32
    %c0_i32_0 = arith.constant 0 : i32
    %c0_i32_1 = arith.constant 0 : i32
    %c0_i32_2 = arith.constant 0 : i32
    return %c0_i32, %arg0, %c0_i32_0, %c0_i32_1 : i32, i32, i32, i32
  }
  func.func @transform_2(%arg0: i32) -> (i32, i32) {
    %c0_i32 = arith.constant 0 : i32
    %c0_i32_0 = arith.constant 0 : i32
    %c0_i32_1 = arith.constant 0 : i32
    return %c0_i32, %c0_i32_0 : i32, i32
  }
  func.func @transform_3(%arg0: i32) -> (i32, i32) {
    %c0_i32 = arith.constant 0 : i32
    %c0_i32_0 = arith.constant 0 : i32
    %c0_i32_1 = arith.constant 0 : i32
    return %c0_i32, %c0_i32_0 : i32, i32
  }
  func.func @transform_4(%arg0: i32) -> (i32, i32) {
    %c0_i32 = arith.constant 0 : i32
    %c0_i32_0 = arith.constant 0 : i32
    return %c0_i32, %arg0 : i32, i32
  }
}

</mosaic_0001>

<sc_bundles>
// kernel: sc_gather.3.cloned.1.call-start
scs
__scs_entry_jumppad:
0x0: {  	(pc) =	sbr.rel $0x88, $3  }
0x1: {  	(tag) =	ssettag $0x0;
	lr =	simm.s32 $0x1  }
0x2: {  	[smem:$0x3F9C] =	sst lr;
	_ =	strace $0xD0000000  }
0x3: {  	_ = 	snop  }
0x4: {  	_ = 	snop  }
0x5: {  	_ = 	snop  }
0x6: {  	_ = 	snop  }
0x7: {  	_ = 	snop  }
__scs_overlays_trampoline_lowered:
0x8: {  	[smem:$0x3FAB] =	sst s0  }
0x9: {  	[smem:$0x3FAC] =	sst s1  }
0xa: {  	[smem:$0x3FAD] =	sst s2  }
0xb: {  	[smem:$0x3FAE] =	sst s3  }
0xc: {  	[smem:$0x3FAF] =	sst s4  }
0xd: {  	[smem:$0x3FB0] =	sst s5  }
0xe: {  	[smem:$0x3FB1] =	sst s6  }
0xf: {  	[smem:$0x3FB2] =	sst s7  }
0x10: {  	[smem:$0x3FB3] =	sst s8  }
0x11: {  	[smem:$0x3FB4] =	sst s9;
	s0 =	simm.s32 @!p0 $0x0  }
0x12: {  	s1 =	sld [smem:$0x3F9A];
	s0 =	simm.s32 @p0 $0x1  }
0x13: {  	[smem:$0x3FB5] =	sst s0;
	s0 =	simm.s32 @!p1 $0x0  }
0x14: {  	s2 =	sld [smem:$0x3F99];
	s0 =	simm.s32 @p1 $0x1  }
0x15: {  	[smem:$0x3FB6] =	sst s0;
	s0 =	simm.s32 @!p2 $0x0  }
0x16: {  	s3 =	sld [smem:$0x3FDB];
	s0 =	simm.s32 @p2 $0x1  }
0x17: {  	s4 =	simm.s32 $0x1BF5;
	[smem:$0x3FB8] =	sst s0  }
0x18: {  	s0 =	sld [smem:$0x3F9B];
	_ =	swait.ge [sflag:s4], $0x0  }
0x19: {  	s7 =	sld [smem:$0x3F9C]  }
0x1a: {  	s8 =	sadd.s32 $0xFFFFE003, lr  }
0x1b: {  	s9 =	sadd.s32 $0xFFFFFEF7, lr;
	s5 =	simm.s32 $0xFFFFFFFF;
	p2 =	slt.u32 s8, $0xFFFFF086  }
0x1c: {  	p1 =	slt.u32 s9, $0xF7A;
	s5 =	simm.s32 @!p2 $0x0  }
0x1d: {  	s5 =	simm.s32 @p1 $0x1;
	p0 =	seq.s32 s7, s2  }
0x1e: {  	s7 =	smul.u32 @!p0 $0xF7A, s2;
	p2 =	seq.s32 @!p0 s5, $0x0  }
0x1f: {  	s9 =	smul.u32 $0xF7A, s1;
	s8 =	simm.s32 @!p0 $0x1BF5;
	p2 =	por !p2, p0  }
0x20: {  	[sflag:s8] =	ssyncset.s32 @!p0 $0xFFFFF086;
	s6 =	sadd.s32 @!p0 s3, s7;
	s7 =	simm.s32 @!p0 $0x108  }
0x21: {  	s3 =	sadd.s32 s3, s9;
	s6 =	sadd.s32 @!p0 $0x88, s6;
	s7 =	simm.s32 @p2 $0x1082  }
0x22: {  	[simem:s7], [sflag:s8] =	dma.local @!p0 [hbm:s6], $0xF7A  }
0x23: {  	s9 =	sor.u32 $0xD0000000, s2;
	s6 =	simm.s32 $0x108;
	_ =	swait.ge @!p0 [sflag:s8], $0x0  }
0x24: {  	s3 =	sadd.s32 $0x88, s3;
	s6 =	simm.s32 @!p1 $0x1082;
	[sflag:s4] =	ssyncset.s32 $0xFFFFF086  }
0x25: {  	[simem:s6], [sflag:s4] =	dma.local [hbm:s3], $0xF7A  }
0x26: {  	[smem:$0x3F9C] =	sst s1;
	(tag) =	ssettag s2;
	_ =	strace s9  }
0x27: {  	s1 =	sld [smem:$0x3FAC]  }
0x28: {  	s2 =	sld [smem:$0x3FAD]  }
0x29: {  	s4 =	sld [smem:$0x3FAF]  }
0x2a: {  	p0 =	seq.s32 s5, $0x0;
	s5 =	sld [smem:$0x3FB0]  }
0x2b: {  	s6 =	sld [smem:$0x3FB1]  }
0x2c: {  	s7 =	sld [smem:$0x3FB2]  }
0x2d: {  	s3 =	simm.s32 $0x108;
	s8 =	sld [smem:$0x3FB3]  }
0x2e: {  	s3 =	simm.s32 @!p0 $0x1082;
	s9 =	sld [smem:$0x3FB4]  }
0x2f: {  	lr =	sadd.s32 s0, s3;
	s0 =	sld [smem:$0x3FAB]  }
0x30: {  	s3 =	sld [smem:$0x3FAE]  }
0x31: {  	[smem:$0x3FB7] =	sst s10  }
0x32: {  	s10 =	sld [smem:$0x3FB5];
	_ =	sdelay $0x3  }
0x33: {  	p0 =	seq.s32 s10, $0x1;
	s10 =	sld [smem:$0x3FB7];
	_ =	sdelay $0x3  }
0x34: {  	[smem:$0x3FB7] =	sst s10  }
0x35: {  	s10 =	sld [smem:$0x3FB6];
	_ =	sdelay $0x3  }
0x36: {  	p1 =	seq.s32 s10, $0x1;
	s10 =	sld [smem:$0x3FB7];
	_ =	sdelay $0x3  }
0x37: {  	[smem:$0x3FB7] =	sst s10  }
0x38: {  	s10 =	sld [smem:$0x3FB8]  }
0x39: {  	_ = 	snop;
	(pc) =	sbr.ind lr, $3  }
0x3a: {  	_ = 	snop  }
0x3b: {  	_ = 	snop  }
0x3c: {  	p2 =	seq.s32 s10, $0x1;
	s10 =	sld [smem:$0x3FB7]  }
0x3d: {  	_ =	shalt  }
0x3e: {  	_ =	shalt  }
0x3f: {  	_ =	shalt  }
0x40: {  	_ =	shalt  }
0x41: {  	_ =	shalt  }
0x42: {  	_ =	shalt  }
0x43: {  	_ =	shalt  }
0x44: {  	_ =	shalt  }
0x45: {  	_ =	shalt  }
0x46: {  	_ =	shalt  }
0x47: {  	_ =	shalt  }
0x48: {  	_ =	shalt  }
0x49: {  	_ =	shalt  }
0x4a: {  	_ =	shalt  }
0x4b: {  	_ =	shalt  }
0x4c: {  	_ =	shalt  }
0x4d: {  	_ =	shalt  }
0x4e: {  	_ =	shalt  }
0x4f: {  	_ =	shalt  }
0x50: {  	_ =	shalt  }
0x51: {  	_ =	shalt  }
0x52: {  	_ =	shalt  }
0x53: {  	_ =	shalt  }
0x54: {  	_ =	shalt  }
0x55: {  	_ =	shalt  }
0x56: {  	_ =	shalt  }
0x57: {  	_ =	shalt  }
0x58: {  	_ =	shalt  }
0x59: {  	_ =	shalt  }
0x5a: {  	_ =	shalt  }
0x5b: {  	_ =	shalt  }
0x5c: {  	_ =	shalt  }
0x5d: {  	_ =	shalt  }
0x5e: {  	_ =	shalt  }
0x5f: {  	_ =	shalt  }
0x60: {  	_ =	shalt  }
0x61: {  	_ =	shalt  }
0x62: {  	_ =	shalt  }
0x63: {  	_ =	shalt  }
0x64: {  	_ =	shalt  }
0x65: {  	_ =	shalt  }
0x66: {  	_ =	shalt  }
0x67: {  	_ =	shalt  }
0x68: {  	_ =	shalt  }
0x69: {  	_ =	shalt  }
0x6a: {  	_ =	shalt  }
0x6b: {  	_ =	shalt  }
0x6c: {  	_ =	shalt  }
0x6d: {  	_ =	shalt  }
0x6e: {  	_ =	shalt  }
0x6f: {  	_ =	shalt  }
0x70: {  	_ =	shalt  }
0x71: {  	_ =	shalt  }
0x72: {  	_ =	shalt  }
0x73: {  	_ =	shalt  }
0x74: {  	_ =	shalt  }
0x75: {  	_ =	shalt  }
0x76: {  	_ =	shalt  }
0x77: {  	_ =	shalt  }
0x78: {  	_ =	shalt  }
0x79: {  	_ =	shalt  }
0x7a: {  	_ =	shalt  }
0x7b: {  	_ =	shalt  }
0x7c: {  	_ =	shalt  }
0x7d: {  	_ =	shalt  }
0x7e: {  	_ =	shalt  }
0x7f: {  	_ =	shalt  }
0x80: {  	_ =	shalt  }
0x81: {  	_ =	shalt  }
0x82: {  	_ =	shalt  }
0x83: {  	_ =	shalt  }
0x84: {  	_ =	shalt  }
0x85: {  	_ =	shalt  }
0x86: {  	_ =	shalt  }
0x87: {  	_ =	shalt  }
.Lfunc_end0:
.L_simem_size_0:
called_computation_lowered:
.L_overlay_start_0:
0x88: {  	s2 =	sld [smem:$0x3FD9]  }
0x89: {  	s3 =	sld [smem:$0x3FFE];
	_ =	sdelay $0x1  }
0x8a: {  	s1 =	srdreg.scid  }
0x8b: {  	s0 =	sand.u32 $0x1, s1  }
0x8c: {  	s16 =	sshll.u32 s0, $0xA;
	s2 =	sadd.s32 s3, s2  }
0x8d: {  	s2 =	sadd.s32 s2, s16  }
0x8e: {  	[smem:$0x3FC3] =	sst s2  }
0x8f: {  	_ = 	snop  }
0x90: {  	(tm) =	ssettm $0x1  }
0x91: {  	s17 =	sld [smem:$0x3FFB];
	_ =	sdelay $0x3  }
0x92: {  	_ =	strace s17  }
0x93: {  	s2 =	sld [smem:$0x3FFC];
	_ =	sdelay $0x3  }
0x94: {  	_ =	strace s2  }
0x95: {  	s2 =	sld [smem:$0x3FFD];
	_ =	sdelay $0x3  }
0x96: {  	_ =	strace s2  }
0x97: {  	_ =	strace $0x8FFFFFFF  }
0x98: {  	s18 =	sld [smem:$0x3FDB];
	_ =	sdelay $0x1  }
0x99: {  	s19 =	simm.s32 $_scs_section_size  }
0x9a: {  	s4 =	simm.s32 $_size__tile_overlayer_lowered;
	s5 =	simm.s32 $_tile_overlayer_lowered  }
0x9b: {  	s22 =	simm.s32 $0x1BFF;
	s21 =	sshll.u32 s5, $0x1;
	s2 =	sadd.s32 s19, s18  }
0x9c: {  	s6 =	simm.s32 $0x0;
	s20 =	sshll.u32 s4, $0x1;
	s4 =	sadd.s32 s21, s2  }
0x9d: {  	[timem:s6], [sflag:s22] =	dma.local [hbm:s4], s20  }
0x9e: {  	_ =	swait.ge [sflag:s22], s20  }
0x9f: {  	s3 =	ssub.s32 $0x0, s20;
	[sflag:s22] =	ssyncset.done $0x0  }
0xa0: {  	[sflag:s22] =	ssyncadd.s32 s3;
	_ =	sdelay $0x1  }
0xa1: {  	s23 =	simm.s32 $0x1B8B  }
0xa2: {  	_ =	swait.ge [sflag:s23], $0x1  }
0xa3: {  	[sflag:s23] =	ssyncset.done $0x0  }
0xa4: {  	s25 =	simm.s32 $0x1B8E;
	s24 =	sld [smem:$0x3FFE];
	[sflag:s23] =	ssyncadd.s32 $0xFFFFFFFF  }
0xa5: {  	s26 =	simm.s32 $execute0_lowered;
	[smem:$0x3FD2] =	sst s25  }
0xa6: {  	s4 =	sshll.u32 s26, $0x1;
	_ =	strace $0x80000046;
	[dreg:$0x1] =	wrdreg $0xFFFFFFFF  }
0xa7: {  	s28 =	simm.s32 $_size_execute0_lowered;
	s2 =	sadd.s32 s2, s4;
	[dreg:$0x0] =	wrdreg $0x0  }
0xa8: {  	s4 =	sshll.u32 s28, $0x1;
	[dreg:$0x2] =	wrdreg s2  }
0xa9: {  	[dreg:$0x3] =	wrdreg s4  }
0xaa: {  	[dreg:$0x4] =	wrdreg $0xC0  }
0xab: {  	_ =	task [dreg:s6], $0x5FFFF  }
0xac: {  	[dreg:$0x1] =	wrdreg $0xFFFFFFFF  }
0xad: {  	[dreg:$0x0] =	wrdreg $0x60  }
0xae: {  	[dreg:$0x2] =	wrdreg s24  }
0xaf: {  	[dreg:$0x3] =	wrdreg $0x9  }
0xb0: {  	_ =	task.clear_ibuf [dreg:s6], $0x4FFFF;
	_ =	strace $0x90000046  }
0xb1: {  	s29 =	simm.s32 $0x9;
	_ =	strace $0x80000048  }
0xb2: {  	_ =	swait.ge [sflag:s29], $0x1  }
0xb3: {  	[sflag:s29] =	ssyncadd.s32 $0xFFFFFFFF  }
0xb4: {  	_ =	strace $0x90000048  }
0xb5: {  	_ =	sfence  }
0xb6: {  	s30 =	sld [smem:$0x0];
	_ =	sdelay $0x2  }
0xb7: {  	s31 =	sshll.u32 s1, $0xD;
	s1 =	sshrl.u32 s1, $0x2  }
0xb8: {  	s3 =	sand.u32 $0x4000, s31;
	s1 =	sadd.s32 s1, s30  }
0xb9: {  	s0 =	sor.u32 s3, s0;
	s1 =	sshll.u32 s1, $0x11  }
0xba: {  	s0 =	sor.u32 s1, s0  }
0xbb: {  	s0 =	sadd.s32 $0x8F2B, s0  }
0xbc: {  	[sflag:s0] =	ssyncadd.remote.s32 $0x1  }
0xbd: {  	_ =	sfence.sel $0xFFFF  }
0xbe: {  	[dreg:$0x0] =	wrdreg $0xFFFFFFFF;
	(pc) =	sbr.abs _section_cstart, $3  }
0xbf: {  	[dreg:$0x1] =	wrdreg $0xFFFFFFFF  }
0xc0: {  	_ =	task.clear_ibuf [dreg:s6], $0x2FFFF;
	_ =	strace $0x9FFFFFFF  }
0xc1: {  	(tm) =	ssettm $0x7FFFFFFF  }
tec
execute0_lowered:
.L_overlay_start_1:
0x0: {  	(tag) =	ssettag $0x1  }
0x1: {  	s0 =	srdreg.scid;
	s12 =	stileid.u32  }
0x2: {  	s7 =	rddreg [dreg:$0x0];
	s3 =	simm.s32 $0x0;
	s28 =	simm.s32 $0x17280  }
0x3: {  	s29 =	simm.s32 $0x7200;
	s30 =	simm.s32 $0x17300;
	s31 =	simm.s32 $0x9200  }
0x4: {  	s0 =	sand.u32 $0x1, s0;
	s1 =	sshll.u32 s12, $0x1;
	[smem:$0x7FF] =	sst s3  }
0x5: {  	s4 =	sadd.s32 $0x187600, s7;
	s5 =	sadd.s32 $0xD400, s7;
	s1 =	sor.u32 s0, s1  }
0x6: {  	s6 =	sadd.s32 $0x24AC00, s7;
	s8 =	ssub.s32 $0x2, s0;
	s2 =	smul.u32 $0x3200, s1  }
0x7: {  	_ =	strace $0x80000047;
	s21 =	smul.u32 $0x3200, s0;
	s9 =	sshrl.u32 s8, $0x1  }
0x8: {  	s0 =	smul.u32 $0x19000, s0;
	s8 =	ssub.s32 s8, s9;
	s1 =	sshrl.u32 s2, $0x3  }
0x9: {  	s10 =	sadd.s32 $0x2F80, s2;
	s13 =	sadd.s32 $0x3080, s2;
	s17 =	sadd.s32 $0x3100, s2  }
0xa: {  	[dreg:$0x10] =	wrdreg s2;
	s22 =	sadd.s32 $0x3180, s2;
	s25 =	smax.u32 s8, $0x1  }
0xb: {  	s8 =	simm.s32 $0x17400;
	s1 =	sadd.s32 s1, s7;
	s7 =	sadd.s32 $0x10600, s7  }
0xc: {  	s26 =	sshll.u32 s10, $0x3;
	s9 =	sshrl.u32 s10, $0x3;
	s10 =	sadd.s32 $0x3000, s2  }
0xd: {  	s15 =	sshll.u32 s13, $0x3;
	s18 =	sshrl.u32 s13, $0x3;
	s19 =	sshll.u32 s17, $0x3  }
0xe: {  	s13 =	sshll.u32 s22, $0x3;
	[dreg:$0xd] =	wrdreg s25;
	s2 =	simm.s32 $0x0  }
0xf: {  	s1 =	sadd.s32 $0xC00, s1;
	s11 =	sshll.u32 s10, $0x3;
	s14 =	sshrl.u32 s10, $0x3  }
0x10: {  	s16 =	sadd.s32 s6, s15;
	s20 =	sadd.s32 s6, s19;
	[dreg:$0x2] =	wrdreg s1  }
0x11: {  	s10 =	sshrl.u32 s22, $0x3;
	s23 =	sadd.s32 s6, s13;
	[dreg:$0x7] =	wrdreg s16  }
0x12: {  	s19 =	simm.s32 $0x1;
	s22 =	simm.s32 $0x4;
	[dreg:$0x9] =	wrdreg s20  }
0x13: {  	s1 =	sadd.s32 s6, s26;
	[dreg:$0xb] =	wrdreg s23;
	s24 =	sadd.s32 s7, s10  }
0x14: {  	s23 =	simm.s32 $0x80;
	[dreg:$0x3] =	wrdreg s1;
	s1 =	sadd.s32 s7, s9  }
0x15: {  	s9 =	sadd.s32 s7, s18;
	[dreg:$0xc] =	wrdreg s24;
	s18 =	simm.s32 $0x3200  }
0x16: {  	[dreg:$0x4] =	wrdreg s1;
	s1 =	sadd.s32 s6, s11;
	s11 =	smul.u32 $0x6400, s12  }
0x17: {  	s24 =	simm.s32 $0x17200;
	[dreg:$0x8] =	wrdreg s9;
	s12 =	smul.u32 $0x32000, s12  }
.Ltmp0:
0x18: {  	[dreg:$0x5] =	wrdreg s1;
	s1 =	sadd.s32 s7, s14;
	(pc) =	sbr.rel .LBB2_1-.Ltmp0, $4  }
0x19: {  	[dreg:$0x6] =	wrdreg s1;
	s1 =	sshrl.u32 s17, $0x3;
	s26 =	sadd.s32 s21, s11  }
0x1a: {  	s0 =	sadd.s32 s0, s12;
	s21 =	simm.s32 $0x2;
	[dreg:$0xe] =	wrdreg s26  }
0x1b: {  	s1 =	sadd.s32 s7, s1;
	[dreg:$0xf] =	wrdreg s0;
	s26 =	simm.s32 $0x5200  }
0x1c: {  	s0 =	simm.s32 $0xB200;
	[dreg:$0xa] =	wrdreg s1;
	s1 =	simm.s32 $0x17380  }
.LBB2_6:
0x1d: {  	_ =	swait.ge [sflag:s21], $0x2000  }
0x1e: {  	[sflag:s21] =	ssyncset.done $0x0  }
0x1f: {  	s10 =	simm.s32 $0xD200;
	s9 =	rddreg [dreg:$0x3];
	[sflag:s21] =	ssyncadd.s32 $0xFFFFE000  }
0x20: {  	[hbm4b:s9+s3] =	stream.linear.scatter [tilespmem:s10], [sflag:$0x4], $0x2000, $0x38;
	[tilespmem:$0x17700] =	vst v63  }
0x21: {  	_ =	swait.ge [sflag:s21], $0x80  }
0x22: {  	[sflag:s21] =	ssyncset.done $0x0  }
0x23: {  	s11 =	simm.s32 $0x17480;
	s10 =	rddreg [dreg:$0x4];
	[sflag:s21] =	ssyncadd.s32 $0xFFFFFF80  }
0x24: {  	[hbm4b:s10+s3] =	stream.linear.scatter [tilespmem:s11], [sflag:$0x4], $0x80, $0x38;
	[tilespmem:$0x17700] =	vst v63  }
0x25: {  	_ =	swait.ge [sflag:s21], $0x2000  }
0x26: {  	[sflag:s21] =	ssyncset.done $0x0  }
0x27: {  	s12 =	rddreg [dreg:$0x5];
	[sflag:s21] =	ssyncadd.s32 $0xFFFFE000  }
0x28: {  	[hbm4b:s12+s3] =	stream.linear.scatter [tilespmem:s2], [sflag:$0x4], $0x2000, $0x38;
	[tilespmem:$0x17700] =	vst v63  }
0x29: {  	_ =	swait.ge [sflag:s21], $0x80  }
0x2a: {  	[sflag:s21] =	ssyncset.done $0x0  }
0x2b: {  	s10 =	rddreg [dreg:$0x6];
	[sflag:s21] =	ssyncadd.s32 $0xFFFFFF80  }
0x2c: {  	[hbm4b:s10+s3] =	stream.linear.scatter [tilespmem:s13], [sflag:$0x4], $0x80, $0x38;
	[tilespmem:$0x17700] =	vst v63  }
0x2d: {  	_ =	swait.ge [sflag:s21], $0x2000  }
0x2e: {  	[sflag:s21] =	ssyncset.done $0x0  }
0x2f: {  	s11 =	rddreg [dreg:$0x7];
	[sflag:s21] =	ssyncadd.s32 $0xFFFFE000  }
0x30: {  	[hbm4b:s11+s3] =	stream.linear.scatter [tilespmem:s14], [sflag:$0x4], $0x2000, $0x38;
	[tilespmem:$0x17700] =	vst v63  }
0x31: {  	_ =	swait.ge [sflag:s21], $0x80  }
0x32: {  	[sflag:s21] =	ssyncset.done $0x0  }
0x33: {  	s12 =	rddreg [dreg:$0x8];
	[sflag:s21] =	ssyncadd.s32 $0xFFFFFF80  }
0x34: {  	[hbm4b:s12+s3] =	stream.linear.scatter [tilespmem:s16], [sflag:$0x4], $0x80, $0x38;
	[tilespmem:$0x17700] =	vst v63  }
0x35: {  	_ =	swait.ge [sflag:s21], $0x2000  }
0x36: {  	[sflag:s21] =	ssyncset.done $0x0  }
0x37: {  	s13 =	rddreg [dreg:$0x9];
	[sflag:s21] =	ssyncadd.s32 $0xFFFFE000  }
0x38: {  	[hbm4b:s13+s3] =	stream.linear.scatter [tilespmem:s15], [sflag:$0x4], $0x2000, $0x38;
	[tilespmem:$0x17700] =	vst v63  }
0x39: {  	_ =	swait.ge [sflag:s21], $0x80  }
0x3a: {  	[sflag:s21] =	ssyncset.done $0x0  }
0x3b: {  	s14 =	rddreg [dreg:$0xa];
	[sflag:s21] =	ssyncadd.s32 $0xFFFFFF80  }
0x3c: {  	[hbm4b:s14+s3] =	stream.linear.scatter [tilespmem:s17], [sflag:$0x4], $0x80, $0x38;
	[tilespmem:$0x17700] =	vst v63  }
0x3d: {  	_ =	swait.ge [sflag:s21], $0x2000  }
0x3e: {  	[sflag:s21] =	ssyncset.done $0x0  }
0x3f: {  	s15 =	rddreg [dreg:$0xb];
	[sflag:s21] =	ssyncadd.s32 $0xFFFFE000  }
0x40: {  	[hbm4b:s15+s3] =	stream.linear.scatter [tilespmem:s20], [sflag:$0x4], $0x2000, $0x38;
	[tilespmem:$0x17700] =	vst v63  }
0x41: {  	_ =	swait.ge [sflag:s21], $0x80  }
0x42: {  	[sflag:s21] =	ssyncset.done $0x0  }
0x43: {  	s17 =	simm.s32 $0x3;
	s16 =	rddreg [dreg:$0xc];
	[sflag:s21] =	ssyncadd.s32 $0xFFFFFF80  }
0x44: {  	[hbm4b:s16+s3] =	stream.linear.scatter [tilespmem:s25], [sflag:$0x4], $0x80, $0x38;
	[tilespmem:$0x17700] =	vst v63  }
0x45: {  	_ =	swait.ge [sflag:s17], $0xA000  }
0x46: {  	[sflag:s17] =	ssyncset.done $0x0  }
0x47: {  	[sflag:s17] =	ssyncadd.s32 $0xFFFF6000  }
0x48: {  	_ =	swait.ge [sflag:s17], $0x280  }
0x49: {  	[sflag:s17] =	ssyncset.done $0x0  }
0x4a: {  	[sflag:s17] =	ssyncadd.s32 $0xFFFFFD80  }
0x4b: {  	_ =	swait.ge [sflag:s22], $0xA000  }
0x4c: {  	[sflag:s22] =	ssyncset.done $0x0  }
0x4d: {  	[sflag:s22] =	ssyncadd.s32 $0xFFFF6000  }
0x4e: {  	_ =	swait.ge [sflag:s22], $0x280  }
0x4f: {  	s20 =	rddreg [dreg:$0x11]  }
0x50: {  	s25 =	rddreg [dreg:$0xd];
	s2 =	sadd.s32 $0x1, s20  }
0x51: {  	p0 =	sne.s32 s2, s25  }
.Ltmp1:
0x52: {  	_ = 	snop;
	(pc) =	sbr.rel @!p0 .LBB2_7-.Ltmp1, $3  }
0x53: {  	_ =	sdelay $0x1  }
0x54: {  	[sflag:s22] =	ssyncset.done $0x0  }
0x55: {  	[sflag:s22] =	ssyncadd.s32 $0xFFFFFD80  }
.LBB2_1:
0x56: {  	[dreg:$0x11] =	wrdreg s2  }
.Ltmp2:
0x57: {  	s9 =	rddreg [dreg:$0x2];
	s25 =	simm.s32 $0x5;
	(pc) =	sbr.rel .LBB2_2-.Ltmp2, $4  }
0x58: {  	[tilespmem:s3], [sflag:$0x5] =	stream.linear.gather [hbm4b:s9+s3], $0x3200, $0x38;
	[tilespmem:$0x17700] =	vst v63  }
0x59: {  	_ =	swait.ge [sflag:s25], $0x3200  }
0x5a: {  	s12 =	simm.s32 $0xA00;
	[sflag:s25] =	ssyncset.done $0x0  }
0x5b: {  	s11 =	simm.s32 $0x0;
	s9 =	rddreg [dreg:$0xf];
	[sflag:s25] =	ssyncadd.s32 $0xFFFFCE00  }
.LBB2_4:
0x5c: {  	_ =	swait.ge [sflag:s21], $0x2000  }
0x5d: {  	s10 =	sadd.s32 $0xFFFFEC00, s9;
	s13 =	rddreg [dreg:$0xe]  }
0x5e: {  	[sflag:s21] =	ssyncset.done $0x0;
	s10 =	sand.u32 $0x1FFFFC00, s10;
	s20 =	sadd.s32 s11, s13  }
0x5f: {  	[sflag:s21] =	ssyncadd.s32 $0xFFFFE000;
	s10 =	sadd.s32 s6, s10;
	s13 =	simm.s32 $0xD200  }
0x60: {  	[hbm4b:s10+s3] =	stream.linear.scatter [tilespmem:s13], [sflag:$0x4], $0x2000, $0x38;
	[tilespmem:$0x17700] =	vst v63  }
0x61: {  	s17 =	sadd.s32 $0xFFFFFD80, s20;
	_ =	swait.ge [sflag:s21], $0x80  }
0x62: {  	s10 =	sshrl.u32 s17, $0x3;
	[sflag:s21] =	ssyncset.done $0x0  }
0x63: {  	s14 =	simm.s32 $0x17480;
	s10 =	sadd.s32 s7, s10;
	[sflag:s21] =	ssyncadd.s32 $0xFFFFFF80  }
0x64: {  	[hbm4b:s10+s3] =	stream.linear.scatter [tilespmem:s14], [sflag:$0x4], $0x80, $0x38;
	[tilespmem:$0x17700] =	vst v63  }
0x65: {  	s18 =	sadd.s32 $0xFFFFF000, s9;
	_ =	swait.ge [sflag:s21], $0x2000  }
0x66: {  	s10 =	sand.u32 $0x1FFFF800, s18;
	[sflag:s21] =	ssyncset.done $0x0  }
0x67: {  	s2 =	simm.s32 $0xF200;
	s10 =	sadd.s32 s6, s10;
	[sflag:s21] =	ssyncadd.s32 $0xFFFFE000  }
0x68: {  	[hbm4b:s10+s3] =	stream.linear.scatter [tilespmem:s2], [sflag:$0x4], $0x2000, $0x38;
	[tilespmem:$0x17700] =	vst v63  }
0x69: {  	s24 =	sadd.s32 $0xFFFFFE00, s20;
	_ =	swait.ge [sflag:s21], $0x80  }
0x6a: {  	s10 =	sshrl.u32 s24, $0x3;
	[sflag:s21] =	ssyncset.done $0x0  }
0x6b: {  	s16 =	simm.s32 $0x17500;
	s10 =	sadd.s32 s7, s10;
	[sflag:s21] =	ssyncadd.s32 $0xFFFFFF80  }
0x6c: {  	[hbm4b:s10+s3] =	stream.linear.scatter [tilespmem:s16], [sflag:$0x4], $0x80, $0x38;
	[tilespmem:$0x17700] =	vst v63  }
0x6d: {  	s25 =	sadd.s32 $0xFFFFF400, s9;
	_ =	swait.ge [sflag:s21], $0x2000  }
0x6e: {  	s10 =	sand.u32 $0x1FFFFC00, s25;
	[sflag:s21] =	ssyncset.done $0x0  }
0x6f: {  	s17 =	simm.s32 $0x11200;
	s10 =	sadd.s32 s6, s10;
	[sflag:s21] =	ssyncadd.s32 $0xFFFFE000  }
0x70: {  	[hbm4b:s10+s3] =	stream.linear.scatter [tilespmem:s17], [sflag:$0x4], $0x2000, $0x38;
	[tilespmem:$0x17700] =	vst v63  }
0x71: {  	s26 =	sadd.s32 $0xFFFFFE80, s20;
	_ =	swait.ge [sflag:s21], $0x80  }
0x72: {  	s10 =	sshrl.u32 s26, $0x3;
	[sflag:s21] =	ssyncset.done $0x0  }
0x73: {  	s18 =	simm.s32 $0x17580;
	s10 =	sadd.s32 s7, s10;
	[sflag:s21] =	ssyncadd.s32 $0xFFFFFF80  }
0x74: {  	[hbm4b:s10+s3] =	stream.linear.scatter [tilespmem:s18], [sflag:$0x4], $0x80, $0x38;
	[tilespmem:$0x17700] =	vst v63  }
0x75: {  	s15 =	sadd.s32 $0xFFFFF800, s9;
	_ =	swait.ge [sflag:s21], $0x2000  }
0x76: {  	s10 =	sand.u32 $0x1FFFF800, s15;
	[sflag:s21] =	ssyncset.done $0x0  }
0x77: {  	s15 =	simm.s32 $0x13200;
	s10 =	sadd.s32 s6, s10;
	[sflag:s21] =	ssyncadd.s32 $0xFFFFE000  }
0x78: {  	[hbm4b:s10+s3] =	stream.linear.scatter [tilespmem:s15], [sflag:$0x4], $0x2000, $0x38;
	[tilespmem:$0x17700] =	vst v63  }
0x79: {  	s24 =	sadd.s32 $0xFFFFFF00, s20;
	_ =	swait.ge [sflag:s21], $0x80  }
0x7a: {  	s10 =	sshrl.u32 s24, $0x3;
	[sflag:s21] =	ssyncset.done $0x0  }
0x7b: {  	s24 =	simm.s32 $0x17600;
	s10 =	sadd.s32 s7, s10;
	[sflag:s21] =	ssyncadd.s32 $0xFFFFFF80  }
0x7c: {  	[hbm4b:s10+s3] =	stream.linear.scatter [tilespmem:s24], [sflag:$0x4], $0x80, $0x38;
	[tilespmem:$0x17700] =	vst v63  }
0x7d: {  	s25 =	sadd.s32 $0xFFFFFC00, s9;
	_ =	swait.ge [sflag:s21], $0x2000  }
0x7e: {  	s10 =	sand.u32 $0x1FFFFC00, s25;
	[sflag:s21] =	ssyncset.done $0x0  }
0x7f: {  	s25 =	simm.s32 $0x15200;
	s10 =	sadd.s32 s6, s10;
	[sflag:s21] =	ssyncadd.s32 $0xFFFFE000  }
0x80: {  	[hbm4b:s10+s3] =	stream.linear.scatter [tilespmem:s25], [sflag:$0x4], $0x2000, $0x38;
	[tilespmem:$0x17700] =	vst v63  }
0x81: {  	s26 =	sadd.s32 $0xFFFFFF80, s20;
	_ =	swait.ge [sflag:s21], $0x80  }
0x82: {  	s10 =	sshrl.u32 s26, $0x3;
	[sflag:s21] =	ssyncset.done $0x0  }
0x83: {  	s26 =	simm.s32 $0x17680;
	s10 =	sadd.s32 s7, s10;
	[sflag:s21] =	ssyncadd.s32 $0xFFFFFF80  }
0x84: {  	[hbm4b:s10+s3] =	stream.linear.scatter [tilespmem:s26], [sflag:$0x4], $0x80, $0x38;
	[tilespmem:$0x17700] =	vst v63  }
0x85: {  	_ =	swait.ge [sflag:s22], $0xA000  }
0x86: {  	[sflag:s22] =	ssyncset.done $0x0  }
0x87: {  	[sflag:s22] =	ssyncadd.s32 $0xFFFF6000  }
0x88: {  	_ =	swait.ge [sflag:s22], $0x280  }
0x89: {  	[sflag:s22] =	ssyncset.done $0x0  }
0x8a: {  	s20 =	smov.u32 s12;
	s10 =	smov.u32 s11;
	[sflag:s22] =	ssyncadd.s32 $0xFFFFFD80  }
.LBB2_5:
0x8b: {  	s20 =	sshra.s32 s20, $0x2  }
0x8c: {  	[tilespmem:s13], [sflag:$0x2] =	stream.indirect.gather [hbm4b:s4+s23], $0x40, s20, s23, $0xb8;
	[tilespmem:$0x17700] =	vst v63  }
0x8d: {  	_ = 	snop  }
0x8e: {  	[tilespmem:s14], [sflag:$0x2] =	stream.indirect.gather [hbm4b:s5+s23], $0x1, s20, s23, $0xb8;
	[tilespmem:$0x17700] =	vst v63  }
0x8f: {  	s14 =	sadd.s32 $0x80, s20  }
0x90: {  	[tilespmem:s2], [sflag:$0x2] =	stream.indirect.gather [hbm4b:s4+s23], $0x40, s14, s23, $0xb8;
	[tilespmem:$0x17700] =	vst v63  }
0x91: {  	_ = 	snop  }
0x92: {  	[tilespmem:s16], [sflag:$0x2] =	stream.indirect.gather [hbm4b:s5+s23], $0x1, s14, s23, $0xb8;
	[tilespmem:$0x17700] =	vst v63  }
0x93: {  	s14 =	sadd.s32 $0x100, s20  }
0x94: {  	[tilespmem:s17], [sflag:$0x2] =	stream.indirect.gather [hbm4b:s4+s23], $0x40, s14, s23, $0xb8;
	[tilespmem:$0x17700] =	vst v63  }
0x95: {  	_ = 	snop  }
0x96: {  	[tilespmem:s18], [sflag:$0x2] =	stream.indirect.gather [hbm4b:s5+s23], $0x1, s14, s23, $0xb8;
	[tilespmem:$0x17700] =	vst v63  }
0x97: {  	s16 =	sadd.s32 $0x180, s20  }
0x98: {  	[tilespmem:s15], [sflag:$0x2] =	stream.indirect.gather [hbm4b:s4+s23], $0x40, s16, s23, $0xb8;
	[tilespmem:$0x17700] =	vst v63  }
0x99: {  	_ = 	snop  }
0x9a: {  	[tilespmem:s24], [sflag:$0x2] =	stream.indirect.gather [hbm4b:s5+s23], $0x1, s16, s23, $0xb8;
	[tilespmem:$0x17700] =	vst v63  }
0x9b: {  	s17 =	sadd.s32 $0x200, s20  }
0x9c: {  	[tilespmem:s25], [sflag:$0x2] =	stream.indirect.gather [hbm4b:s4+s23], $0x40, s17, s23, $0xb8;
	[tilespmem:$0x17700] =	vst v63  }
0x9d: {  	s18 =	rddreg [dreg:$0x10]  }
0x9e: {  	[tilespmem:s26], [sflag:$0x2] =	stream.indirect.gather [hbm4b:s5+s23], $0x1, s17, s23, $0xb8;
	[tilespmem:$0x17700] =	vst v63  }
0x9f: {  	s10 =	sadd.s32 s18, s10;
	_ =	swait.ge [sflag:s19], $0x2000  }
0xa0: {  	s20 =	sshll.u32 s10, $0x3;
	[sflag:s19] =	ssyncset.done $0x0  }
0xa1: {  	s18 =	simm.s32 $0x3200;
	s13 =	sadd.s32 s6, s20;
	[sflag:s19] =	ssyncadd.s32 $0xFFFFE000  }
0xa2: {  	[hbm4b:s13+s3] =	stream.linear.scatter [tilespmem:s18], [sflag:$0x3], $0x2000, $0x38;
	[tilespmem:$0x17700] =	vst v63  }
0xa3: {  	_ =	swait.ge [sflag:s19], $0x80  }
0xa4: {  	s24 =	sshrl.u32 s10, $0x3;
	s25 =	sor.u32 $0x80, s10;
	[sflag:s19] =	ssyncset.done $0x0  }
0xa5: {  	s13 =	sadd.s32 s7, s24;
	s24 =	simm.s32 $0x17200;
	[sflag:s19] =	ssyncadd.s32 $0xFFFFFF80  }
0xa6: {  	[hbm4b:s13+s3] =	stream.linear.scatter [tilespmem:s24], [sflag:$0x3], $0x80, $0x38;
	[tilespmem:$0x17700] =	vst v63  }
0xa7: {  	s2 =	sshll.u32 s25, $0x3;
	_ =	swait.ge [sflag:s19], $0x2000  }
0xa8: {  	s20 =	sand.u32 $0x1FFFFC00, s2;
	[sflag:s19] =	ssyncset.done $0x0  }
0xa9: {  	s26 =	simm.s32 $0x5200;
	s20 =	sadd.s32 s6, s20;
	[sflag:s19] =	ssyncadd.s32 $0xFFFFE000  }
0xaa: {  	[hbm4b:s20+s3] =	stream.linear.scatter [tilespmem:s26], [sflag:$0x3], $0x2000, $0x38;
	[tilespmem:$0x17700] =	vst v63  }
0xab: {  	_ =	swait.ge [sflag:s19], $0x80  }
0xac: {  	s13 =	sshrl.u32 s25, $0x3;
	[sflag:s19] =	ssyncset.done $0x0  }
0xad: {  	s14 =	sadd.s32 $0x100, s10;
	s13 =	sadd.s32 s7, s13;
	[sflag:s19] =	ssyncadd.s32 $0xFFFFFF80  }
0xae: {  	[hbm4b:s13+s3] =	stream.linear.scatter [tilespmem:s28], [sflag:$0x3], $0x80, $0x38;
	[tilespmem:$0x17700] =	vst v63  }
0xaf: {  	s15 =	sshll.u32 s14, $0x3;
	_ =	swait.ge [sflag:s19], $0x2000  }
0xb0: {  	s20 =	sand.u32 $0x1FFFF800, s15;
	[sflag:s19] =	ssyncset.done $0x0  }
0xb1: {  	s20 =	sadd.s32 s6, s20;
	[sflag:s19] =	ssyncadd.s32 $0xFFFFE000  }
0xb2: {  	[hbm4b:s20+s3] =	stream.linear.scatter [tilespmem:s29], [sflag:$0x3], $0x2000, $0x38;
	[tilespmem:$0x17700] =	vst v63  }
0xb3: {  	_ =	swait.ge [sflag:s19], $0x80  }
0xb4: {  	s13 =	sshrl.u32 s14, $0x3;
	[sflag:s19] =	ssyncset.done $0x0  }
0xb5: {  	s16 =	sadd.s32 $0x180, s10;
	s13 =	sadd.s32 s7, s13;
	[sflag:s19] =	ssyncadd.s32 $0xFFFFFF80  }
0xb6: {  	[hbm4b:s13+s3] =	stream.linear.scatter [tilespmem:s30], [sflag:$0x3], $0x80, $0x38;
	[tilespmem:$0x17700] =	vst v63  }
0xb7: {  	s17 =	sshll.u32 s16, $0x3;
	_ =	swait.ge [sflag:s19], $0x2000  }
0xb8: {  	s20 =	sand.u32 $0x1FFFFC00, s17;
	[sflag:s19] =	ssyncset.done $0x0  }
0xb9: {  	s20 =	sadd.s32 s6, s20;
	[sflag:s19] =	ssyncadd.s32 $0xFFFFE000  }
0xba: {  	[hbm4b:s20+s3] =	stream.linear.scatter [tilespmem:s31], [sflag:$0x3], $0x2000, $0x38;
	[tilespmem:$0x17700] =	vst v63  }
0xbb: {  	s11 =	sadd.s32 $0x500, s11;
	s9 =	sadd.s32 $0x2800, s9;
	_ =	swait.ge [sflag:s19], $0x80  }
0xbc: {  	s12 =	sadd.s32 $0x1400, s12;
	s13 =	sshrl.u32 s16, $0x3;
	[sflag:s19] =	ssyncset.done $0x0  }
0xbd: {  	s10 =	sadd.s32 $0x200, s10;
	s13 =	sadd.s32 s7, s13;
	[sflag:s19] =	ssyncadd.s32 $0xFFFFFF80  }
0xbe: {  	[hbm4b:s13+s3] =	stream.linear.scatter [tilespmem:s1], [sflag:$0x3], $0x80, $0x38;
	[tilespmem:$0x17700] =	vst v63  }
0xbf: {  	p0 =	sne.s32 s11, $0x3200;
	s25 =	sshll.u32 s10, $0x3;
	_ =	swait.ge [sflag:s19], $0x2000  }
0xc0: {  	s2 =	simm.s32 $0xF200;
	s13 =	sand.u32 $0x1FFFF800, s25;
	[sflag:s19] =	ssyncset.done $0x0  }
0xc1: {  	s10 =	sshrl.u32 s10, $0x3;
	s13 =	sadd.s32 s6, s13;
	[sflag:s19] =	ssyncadd.s32 $0xFFFFE000  }
0xc2: {  	[hbm4b:s13+s3] =	stream.linear.scatter [tilespmem:s0], [sflag:$0x3], $0x2000, $0x38;
	[tilespmem:$0x17700] =	vst v63  }
.Ltmp3:
0xc3: {  	s10 =	sadd.s32 s7, s10;
	s15 =	simm.s32 $0x13200;
	(pc) =	sbr.rel @!p0 .LBB2_6-.Ltmp3, $4  }
0xc4: {  	s14 =	simm.s32 $0x11200;
	s17 =	simm.s32 $0x17600;
	_ =	swait.ge [sflag:s19], $0x80  }
0xc5: {  	s16 =	simm.s32 $0x17580;
	s20 =	simm.s32 $0x15200;
	[sflag:s19] =	ssyncset.done $0x0  }
0xc6: {  	s25 =	simm.s32 $0x17680;
	s13 =	simm.s32 $0x17500;
	[sflag:s19] =	ssyncadd.s32 $0xFFFFFF80  }
0xc7: {  	[hbm4b:s10+s3] =	stream.linear.scatter [tilespmem:s8], [sflag:$0x3], $0x80, $0x38;
	[tilespmem:$0x17700] =	vst v63  }
.LBB2_2:
0xc8: {  	p0 =	seq.s32 s11, $0x0  }
0xc9: {  	s10 =	simm.s32 @!p0 $0x3  }
0xca: {  	_ =	swait.ge @!p0 [sflag:s10], $0xA000  }
0xcb: {  	[sflag:s10] =	ssyncset.done @!p0 $0x0  }
0xcc: {  	[sflag:s10] =	ssyncadd.s32 @!p0 $0xFFFF6000  }
0xcd: {  	_ =	swait.ge @!p0 [sflag:s10], $0x280  }
0xce: {  	s20 =	sshra.s32 s12, $0x2;
	[sflag:s10] =	ssyncset.done @!p0 $0x0  }
0xcf: {  	s17 =	sadd.s32 $0xFFFFFD80, s20;
	[sflag:s10] =	ssyncadd.s32 @!p0 $0xFFFFFD80  }
0xd0: {  	[tilespmem:s18], [sflag:$0x1] =	stream.indirect.gather [hbm4b:s4+s23], $0x40, s17, s23, $0xb8;
	[tilespmem:$0x17700] =	vst v63  }
0xd1: {  	_ = 	snop  }
0xd2: {  	[tilespmem:s24], [sflag:$0x1] =	stream.indirect.gather [hbm4b:s5+s23], $0x1, s17, s23, $0xb8;
	[tilespmem:$0x17700] =	vst v63  }
0xd3: {  	s18 =	sadd.s32 $0xFFFFFE00, s20  }
0xd4: {  	[tilespmem:s26], [sflag:$0x1] =	stream.indirect.gather [hbm4b:s4+s23], $0x40, s18, s23, $0xb8;
	[tilespmem:$0x17700] =	vst v63  }
0xd5: {  	_ = 	snop  }
0xd6: {  	[tilespmem:s28], [sflag:$0x1] =	stream.indirect.gather [hbm4b:s5+s23], $0x1, s18, s23, $0xb8;
	[tilespmem:$0x17700] =	vst v63  }
0xd7: {  	s24 =	sadd.s32 $0xFFFFFE80, s20  }
0xd8: {  	[tilespmem:s29], [sflag:$0x1] =	stream.indirect.gather [hbm4b:s4+s23], $0x40, s24, s23, $0xb8;
	[tilespmem:$0x17700] =	vst v63  }
0xd9: {  	_ = 	snop  }
0xda: {  	[tilespmem:s30], [sflag:$0x1] =	stream.indirect.gather [hbm4b:s5+s23], $0x1, s24, s23, $0xb8;
	[tilespmem:$0x17700] =	vst v63  }
0xdb: {  	s25 =	sadd.s32 $0xFFFFFF00, s20  }
0xdc: {  	[tilespmem:s31], [sflag:$0x1] =	stream.indirect.gather [hbm4b:s4+s23], $0x40, s25, s23, $0xb8;
	[tilespmem:$0x17700] =	vst v63  }
0xdd: {  	_ = 	snop  }
0xde: {  	[tilespmem:s1], [sflag:$0x1] =	stream.indirect.gather [hbm4b:s5+s23], $0x1, s25, s23, $0xb8;
	[tilespmem:$0x17700] =	vst v63  }
.Ltmp4:
0xdf: {  	_ = 	snop;
	(pc) =	sbr.rel @!p0 .LBB2_4-.Ltmp4, $4  }
0xe0: {  	s26 =	sadd.s32 $0xFFFFFF80, s20  }
0xe1: {  	[tilespmem:s0], [sflag:$0x1] =	stream.indirect.gather [hbm4b:s4+s23], $0x40, s26, s23, $0xb8;
	[tilespmem:$0x17700] =	vst v63  }
0xe2: {  	_ = 	snop  }
0xe3: {  	[tilespmem:s8], [sflag:$0x1] =	stream.indirect.gather [hbm4b:s5+s23], $0x1, s26, s23, $0xb8;
	[tilespmem:$0x17700] =	vst v63  }
.Ltmp5:
0xe4: {  	(pc) =	sbr.rel .LBB2_5-.Ltmp5, $4  }
0xe5: {  	s10 =	simm.s32 $0x0;
	s20 =	simm.s32 $0xA00;
	s13 =	simm.s32 $0xD200  }
0xe6: {  	s14 =	simm.s32 $0x17480;
	s2 =	simm.s32 $0xF200;
	s16 =	simm.s32 $0x17500  }
0xe7: {  	s17 =	simm.s32 $0x11200;
	s18 =	simm.s32 $0x17580;
	s15 =	simm.s32 $0x13200  }
0xe8: {  	s24 =	simm.s32 $0x17600;
	s25 =	simm.s32 $0x15200;
	s26 =	simm.s32 $0x17680  }
.LBB2_7:
0xe9: {  	_ =	sfence.sel $0x180000  }
0xea: {  	[bflag:$0x0] =	sbarrier.arrive $0xFFFF  }
0xeb: {  	_ =	strace $0x90000047  }
0xec: {  	s0 =	stileid.u32;
	[bflag:$0x2] =	sbarrier.arrive $0xFFFF  }
0xed: {  	p0 =	sne.s32 s0, $0x0;
	s0 =	rddreg [dreg:$0x1]  }
0xee: {  	s0 =	sadd.s32 @!p0 $0x100000, s0  }
0xef: {  	[sflag:s0] =	ssyncadd.tile.s32 @!p0 $0x1;
	_ =	shalt  }
.Lfunc_end2:
_tile_overlayer_lowered:
.L_overlay_start_2:
0xf0: {  	(tag) =	ssettag $0x2  }
0xf1: {  	s0 =	rddreg [dreg:$0x0];
	s2 =	stileid.u32  }
0xf2: {  	s1 =	rddreg [dreg:$0x1];
	p0 =	sne.s32 s2, $0x0  }
0xf3: {  	s3 =	rddreg [dreg:$0x2];
	[bflag:$0x3] =	sbarrier.arrive $0xFFFF;
	s2 =	simm.s32 @!p0 $0x1C05  }
0xf4: {  	[timem:s3], [sflag:s2] =	dma.local @!p0 [hbm:s0], s1  }
0xf5: {  	s0 =	simm.s32 @!p0 $0x5  }
0xf6: {  	_ =	swait.ge @!p0 [sflag:s0], s1  }
0xf7: {  	s1 =	ssub.s32 @!p0 $0x0, s1;
	[sflag:s0] =	ssyncset.done @!p0 $0x0  }
0xf8: {  	[sflag:s0] =	ssyncadd.s32 @!p0 s1  }
0xf9: {  	[bflag:$0x3] =	sbarrier.arrive $0xFFFF  }
0xfa: {  	_ =	shalt  }

</sc_bundles>
